<compile_context>
chip_gen: v7x
topology: tpu7x:2x2x1
jax: 0.10.2.dev20260603
libtpu: 0.0.44.dev20260713+nightly
codegen_flags: <defaults>
</compile_context>

<pallas_src>
import jax
import jax.numpy as jnp
from jax import lax
from jax.experimental import pallas as pl
from jax.experimental.pallas import tpu as pltpu
import jax.experimental.pallas.tpu_sc as plsc

G = 5000
P = 10000
H = 128
B = 8
E = 320000
EPS = 1e-5

NC, NS = 2, 16
NW = NC * NS
EPW = E // NW
WIN = 80
NWIN = EPW // WIN
DEG_PAD = 10240
SLOTS = 16
CS_PAD = 16 * 10240

_f32 = jnp.float32
_i32 = jnp.int32


def _sc_body(src_h, dst_h, w_h, needed_h, deg_out, c_out,
             needed_v, src_b, dst_b, w_b, idx_b, val_b, zb, slotmap,
             deg_sh, c_sh, sem):
    cid = lax.axis_index("c")
    sid = lax.axis_index("s")
    wid = cid * NS + sid

    def _z(i, _):
        for u in range(5):
            zb[pl.ds(i * 80 + u * 16, 16)] = jnp.zeros((16,), _f32)
        return 0
    lax.fori_loop(0, (CS_PAD // NS) // 80, _z, 0)
    pltpu.sync_copy(zb, c_sh.at[pl.ds(sid * (CS_PAD // NS), CS_PAD // NS)])
    pltpu.sync_copy(zb.at[pl.ds(0, DEG_PAD // NS)],
                    deg_sh.at[pl.ds(sid * (DEG_PAD // NS), DEG_PAD // NS)])

    pltpu.sync_copy(needed_h, needed_v)
    pltpu.sync_copy(src_h.at[wid], src_b)
    pltpu.sync_copy(dst_h.at[wid], dst_b)
    pltpu.sync_copy(w_h.at[wid], w_b)

    def _zs(i, _):
        for u in range(5):
            slotmap[pl.ds(i * 80 + u * 16, 16)] = jnp.zeros((16,), _i32)
        return 0
    lax.fori_loop(0, P // 80, _zs, 0)
    needed_vec = needed_v[...]
    repv = jnp.full((16,), SLOTS, _i32)
    for s in range(SLOTS):
        ns = needed_vec[s]
        repv = jnp.minimum(repv, jnp.where(needed_vec == ns, s, SLOTS))
    plsc.store_scatter(slotmap, [needed_vec], repv + 1)

    plsc.subcore_barrier()

    def _compute(j, _):
        for k in range(WIN // 16):
            off = k * 16
            srcv = src_b[j, pl.ds(off, 16)]
            dstv = dst_b[j, pl.ds(off, 16)]
            wv = w_b[j, pl.ds(off, 16)]
            slotv = plsc.load_gather(slotmap, [dstv])
            idx = srcv * SLOTS + jnp.maximum(slotv - 1, 0)
            val = jnp.where(slotv > 0, wv, jnp.zeros((16,), _f32))
            idx_b[j, pl.ds(off, 16)] = idx
            val_b[j, pl.ds(off, 16)] = val
        pltpu.async_copy(w_b.at[j], deg_sh.at[dst_b.at[j]], sem, add=True)
        pltpu.async_copy(val_b.at[j], c_sh.at[idx_b.at[j]], sem, add=True)
        return 0
    lax.fori_loop(0, NWIN, _compute, 0)

    def _drain(j, _):
        pltpu.make_async_copy(w_b.at[j], deg_sh.at[dst_b.at[j]], sem).wait()
        pltpu.make_async_copy(val_b.at[j], c_sh.at[idx_b.at[j]], sem).wait()
        return 0
    lax.fori_loop(0, NWIN, _drain, 0)

    plsc.subcore_barrier()

    pltpu.sync_copy(deg_sh.at[pl.ds(sid * (DEG_PAD // NS), DEG_PAD // NS)],
                    deg_out.at[cid, 0, pl.ds(sid * (DEG_PAD // NS), DEG_PAD // NS)])
    pltpu.sync_copy(c_sh.at[pl.ds(sid * (CS_PAD // NS), CS_PAD // NS)],
                    c_out.at[cid, 0, pl.ds(sid * (CS_PAD // NS), CS_PAD // NS)])


def _sc_edges(src2, dst2, w2, needed):
    mesh = plsc.VectorSubcoreMesh(core_axis_name="c", subcore_axis_name="s",
                                  num_cores=NC, num_subcores=NS)
    kern = pl.kernel(
        _sc_body,
        out_type=(jax.ShapeDtypeStruct((NC, 1, DEG_PAD), _f32),
                  jax.ShapeDtypeStruct((NC, 1, CS_PAD), _f32)),
        mesh=mesh,
        scratch_types=dict(
            needed_v=pltpu.VMEM((16,), _i32),
            src_b=pltpu.VMEM((NWIN, WIN), _i32),
            dst_b=pltpu.VMEM((NWIN, WIN), _i32),
            w_b=pltpu.VMEM((NWIN, WIN), _f32),
            idx_b=pltpu.VMEM((NWIN, WIN), _i32),
            val_b=pltpu.VMEM((NWIN, WIN), _f32),
            zb=pltpu.VMEM((CS_PAD // NS,), _f32),
            slotmap=pltpu.VMEM((P,), _i32),
            deg_sh=pltpu.VMEM_SHARED((DEG_PAD,), _f32),
            c_sh=pltpu.VMEM_SHARED((CS_PAD,), _f32),
            sem=pltpu.SemaphoreType.DMA,
        ),
        compiler_params=pltpu.CompilerParams(needs_layout_passes=False),
    )
    return kern(src2, dst2, w2, needed)


def _dot_t(a, b, precision=None):
    return lax.dot_general(a, b, (((1,), (1,)), ((), ())),
                           precision=precision,
                           preferred_element_type=_f32)


def _dot_th(a, b):
    return _dot_t(a, b, precision=lax.Precision.HIGHEST)


def _bn_rows(x, g, b):
    mu = jnp.mean(x, axis=0, keepdims=True)
    d = x - mu
    v = jnp.mean(d * d, axis=0, keepdims=True)
    return d * lax.rsqrt(v + EPS) * g + b


GBS = 1000
NGB = G // GBS
NROWS = float(B * G)


def _prep_body(ge_full, deg_ref, c_ref, pe_ref, needed_ref,
               bn_emb_g, bn_emb_be, sg_w, sg_b,
               fw0, fb0, fg0, fbe0, fw1, fb1, fg1, fbe1,
               bn_pb_g, bn_pb_be, alpha_out, cvec2_out):
    deg = deg_ref[0] + deg_ref[1] + 1.0
    dinv = lax.rsqrt(deg + 1e-12)
    c = c_ref[0] + c_ref[1]
    needed = needed_ref[...]
    onehot = (lax.broadcasted_iota(_i32, (P, SLOTS), 0) == needed).astype(_f32)
    dinv_n = jnp.sum(onehot * dinv, axis=0, keepdims=True)
    d = dinv * c * dinv_n + onehot * (dinv_n * dinv_n)
    agg = lax.dot_general(d, pe_ref[...], (((0,), (0,)), ((), ())),
                          precision=lax.Precision.HIGHEST,
                          preferred_element_type=_f32)
    slot_ids = lax.broadcasted_iota(_i32, (SLOTS, SLOTS), 1)
    eq = jnp.transpose(needed) == needed
    rep = jnp.min(jnp.where(eq, slot_ids, SLOTS), axis=1, keepdims=True)
    rmat = (rep == slot_ids).astype(_f32)
    agg_f = jnp.dot(rmat, agg, precision=lax.Precision.HIGHEST,
                    preferred_element_type=_f32)
    asum = jnp.sum(agg_f.reshape(B, 2, H), axis=1)
    pert_sum = _dot_th(asum, sg_w[...]) + 2.0 * sg_b[...]

    t = _dot_th(pert_sum, fw0[...]) + fb0[...]
    t = _bn_rows(t, fg0[...], fbe0[...])
    t = jnp.maximum(t, 0.0)
    t = _dot_th(t, fw1[...]) + fb1[...]
    emb_total = _bn_rows(t, fg1[...], fbe1[...])

    ge = ge_full[...]
    me = jnp.mean(ge, axis=0, keepdims=True)
    ve = jnp.mean(ge * ge, axis=0, keepdims=True) - me * me
    rs = lax.rsqrt(ve + EPS)
    var_embbn = bn_emb_g[...] ** 2 * (ve / (ve + EPS))
    mu_t = jnp.mean(emb_total, axis=0, keepdims=True)
    dt = emb_total - mu_t
    var_t = jnp.mean(dt * dt, axis=0, keepdims=True)
    m_pb = bn_emb_be[...] + mu_t
    t_pb = bn_pb_g[...] * lax.rsqrt(var_embbn + var_t + EPS)
    alpha_out[...] = rs * bn_emb_g[...] * t_pb
    beta = (bn_emb_be[...] - me * rs * bn_emb_g[...]) * t_pb
    cvec = emb_total * t_pb + bn_pb_be[...] - m_pb * t_pb
    cvec2_out[...] = cvec + beta


def _tc_body(ge_blk, alpha_ref, cvec2_ref,
             w0, b0, g0, be0, w1, b1, g1, be1,
             v1g_blk, b1col_blk, x2_ref,
             cw0, cb0, cg0, cbe0, cw1, cb1, cg1, cbe1,
             w2a_ref, w2h_ref, b2_ref, out_ref,
             s1s, s2s, s1bs, s2bs, y2s, out1t_s):
    ps = pl.program_id(0)
    i = pl.program_id(1)
    goff = pl.multiple_of(i * GBS, GBS)

    @pl.when((ps == 0) & (i == 0))
    def _():
        s1s[...] = jnp.zeros_like(s1s)
        s2s[...] = jnp.zeros_like(s2s)
        s1bs[...] = jnp.zeros_like(s1bs)
        s2bs[...] = jnp.zeros_like(s2bs)

    def _z():
        return jnp.maximum(ge_blk[...][None, :, :] * alpha_ref[...]
                           + cvec2_ref[...][:, None, :], 0.0).reshape(B * GBS, H)

    @pl.when(ps == 0)
    def _():
        z = _z()
        s1s[...] += jnp.sum(z, axis=0, keepdims=True)
        s2s[...] += lax.dot_general(z, z, (((0,), (0,)), ((), ())),
                                    preferred_element_type=_f32)

    @pl.when(ps == 1)
    def _():
        z = _z()
        y1 = _dot_t(z, w0[...]) + b0[...]
        mz = s1s[...] / NROWS
        cov = s2s[...] / NROWS - jnp.transpose(mz) * mz
        m1 = _dot_t(mz, w0[...]) + b0[...]
        tmp = lax.dot_general(w0[...], cov, (((1,), (0,)), ((), ())),
                              preferred_element_type=_f32)
        v1 = _dot_t(jnp.ones((1, H), _f32), tmp * w0[...])
        t1 = g0[...] * lax.rsqrt(v1 + EPS)
        h = jnp.maximum((y1 - m1) * t1 + be0[...], 0.0)
        y2 = _dot_t(h, w1[...]) + b1[...]
        y2s[:, pl.ds(goff, GBS), :] = y2.reshape(B, GBS, H)
        s1bs[...] += jnp.sum(y2, axis=0, keepdims=True)
        s2bs[...] += jnp.sum(y2 * y2, axis=0, keepdims=True)

    @pl.when(ps == 2)
    def _():
        m2 = s1bs[...] / NROWS
        v2 = s2bs[...] / NROWS - m2 * m2
        t2 = g1[...] * lax.rsqrt(v2 + EPS)
        v1g = v1g_blk[...]
        vt = v1g * t2
        y2 = y2s[:, pl.ds(goff, GBS), :]
        w = jnp.sum(y2 * vt[None, :, :], axis=2)
        dvec = jnp.sum(v1g * (be1[...] - m2 * t2), axis=1, keepdims=True)
        out1t_s[pl.ds(goff, GBS), :] = (jnp.transpose(w) + dvec
                                        + b1col_blk[...])

    @pl.when((ps == 3) & (i == 0))
    def _():
        out1 = jnp.transpose(out1t_s[...])
        c1 = _dot_th(out1, cw0[...]) + cb0[...]
        c1 = _bn_rows(c1, cg0[...], cbe0[...])
        c1 = jnp.maximum(c1, 0.0)
        c1 = _dot_th(c1, cw1[...]) + cb1[...]
        cg = _bn_rows(c1, cg1[...], cbe1[...])
        out_ref[...] = (out1 * w2a_ref[...] + _dot_th(cg, w2h_ref[...])
                        + b2_ref[...] + x2_ref[...])


def _const_spec(shape):
    return pl.BlockSpec(shape, lambda p, i: tuple(0 for _ in shape))


def kernel(x, pert_idx, edge_index, edge_weight, params):
    p = params
    src2 = edge_index[0].reshape(NW, NWIN, WIN).astype(_i32)
    dst2 = edge_index[1].reshape(NW, NWIN, WIN).astype(_i32)
    w2 = edge_weight.reshape(NW, NWIN, WIN)
    needed = pert_idx.reshape(2 * B).astype(_i32)

    deg2, c2 = _sc_edges(src2, dst2, w2, needed)
    deg2 = deg2[:, 0, :P].reshape(NC, P, 1)
    c2 = c2[:, 0, :P * SLOTS].reshape(NC, P, SLOTS)

    row = lambda a: a.reshape(1, -1)
    x2 = x.reshape(B, G + 1)[:, :-1]

    alpha, cvec2 = pl.pallas_call(
        _prep_body,
        out_shape=(jax.ShapeDtypeStruct((1, H), _f32),
                   jax.ShapeDtypeStruct((B, H), _f32)),
    )(p['gene_emb'], deg2, c2, p['pert_emb'], needed.reshape(1, 2 * B),
      row(p['bn_emb_g']), row(p['bn_emb_be']), p['sg_W'], row(p['sg_b']),
      p['fuse_W0'], row(p['fuse_b0']), row(p['fuse_g0']), row(p['fuse_be0']),
      p['fuse_W1'], row(p['fuse_b1']), row(p['fuse_g1']), row(p['fuse_be1']),
      row(p['bn_pb_g']), row(p['bn_pb_be']))

    final = pl.pallas_call(
        _tc_body,
        grid=(4, NGB),
        in_specs=[pl.BlockSpec((GBS, H), lambda p, i: (i, 0)),
                  _const_spec((1, H)), _const_spec((B, H)),
                  _const_spec((2 * H, H)), _const_spec((1, 2 * H)),
                  _const_spec((1, 2 * H)), _const_spec((1, 2 * H)),
                  _const_spec((H, 2 * H)), _const_spec((1, H)),
                  _const_spec((1, H)), _const_spec((1, H)),
                  pl.BlockSpec((GBS, H), lambda p, i: (i, 0)),
                  pl.BlockSpec((GBS, 1), lambda p, i: (i, 0)),
                  _const_spec((B, G)),
                  _const_spec((H, G)), _const_spec((1, H)),
                  _const_spec((1, H)), _const_spec((1, H)),
                  _const_spec((H, H)), _const_spec((1, H)),
                  _const_spec((1, H)), _const_spec((1, H)),
                  _const_spec((1, G)), _const_spec((G, H)),
                  _const_spec((1, G))],
        out_specs=_const_spec((B, G)),
        out_shape=jax.ShapeDtypeStruct((B, G), _f32),
        scratch_shapes=[pltpu.VMEM((1, H), _f32), pltpu.VMEM((H, H), _f32),
                        pltpu.VMEM((1, H), _f32), pltpu.VMEM((1, H), _f32),
                        pltpu.VMEM((B, G, H), _f32), pltpu.VMEM((G, B), _f32)],
    )(p['gene_emb'], alpha, cvec2,
      p['rec_W0'], row(p['rec_b0']), row(p['rec_g0']), row(p['rec_be0']),
      p['rec_W1'], row(p['rec_b1']), row(p['rec_g1']), row(p['rec_be1']),
      p['indv_w1'][:, :, 0], p['indv_b1'], x2,
      p['cg_W0'], row(p['cg_b0']), row(p['cg_g0']), row(p['cg_be0']),
      p['cg_W1'], row(p['cg_b1']), row(p['cg_g1']), row(p['cg_be1']),
      p['indv_w2'][0, :, 0].reshape(1, G), p['indv_w2'][0, :, 1:],
      p['indv_b2'][0].reshape(1, G))
    return final

# --- scband reference (transcript-rebuilt; emitter-appended) ---
"""Pipeline reference for scband-gears-model-pert-adapter-new-aido-24575802868164 (READ-ONLY COPY).

The authoritative reference and input builder live on the scoring server;
editing this copy changes nothing except your own understanding.
"""

import jax, jax.numpy as jnp
import numpy as np

NUM_GENES = 5000
NUM_PERTS = 10000
HID = 128
B = 8
E = 320000
EPS = 1e-5


def _bn(x, g, b):
    m = x.mean(axis=0)
    v = x.var(axis=0)
    return (x - m) / jnp.sqrt(v + EPS) * g + b


def _mlp2(x, p, pre):
    # MLP([d0,d1,d2]) from the source: Linear -> BN -> ReLU -> Linear -> BN (last ReLU stripped)
    x = x @ p[pre + '_W0'].T + p[pre + '_b0']
    x = _bn(x, p[pre + '_g0'], p[pre + '_be0'])
    x = jax.nn.relu(x)
    x = x @ p[pre + '_W1'].T + p[pre + '_b1']
    x = _bn(x, p[pre + '_g1'], p[pre + '_be1'])
    return x


def _sgconv(x, ei, ew, W, b, n):
    # PyG SGConv(K=1) with gcn_norm: add self loops (weight 1), symmetric normalization, then linear
    loop = jnp.arange(n)
    src = jnp.concatenate([ei[0], loop])
    dst = jnp.concatenate([ei[1], loop])
    w = jnp.concatenate([ew, jnp.ones(n, x.dtype)])
    deg = jax.ops.segment_sum(w, dst, num_segments=n)
    dinv = jnp.where(deg > 0, 1.0 / jnp.sqrt(deg + 1e-12), 0.0)
    norm = dinv[src] * w * dinv[dst]
    agg = jax.ops.segment_sum(x[src] * norm[:, None], dst, num_segments=n)
    return agg @ W.T + b


def _forward(x, edge_weight, params, pert_idx, edge_index):
    p = params
    x2 = x.reshape(B, NUM_GENES + 1)[:, :-1]
    # gene embedding lookup, repeated per graph (non-pretrained branch)
    gene_idx = jnp.tile(jnp.arange(NUM_GENES), B)
    emb = jnp.take(p['gene_emb'], gene_idx, axis=0)
    emb = _bn(emb, p['bn_emb_g'], p['bn_emb_be'])
    # GO-graph message passing over perturbation embeddings (num_go_gnn_layers=1)
    pg = p['pert_emb']
    pg = _sgconv(pg, edge_index, edge_weight, p['sg_W'], p['sg_b'], NUM_PERTS)
    # per-graph sum of perturbation embeddings, fused through MLP, added to base gene emb
    pert_sum = jnp.take(pg, pert_idx, axis=0).sum(axis=1)  # [B, HID]
    emb_total = _mlp2(pert_sum, p, 'fuse')
    base = emb.reshape(B, NUM_GENES, HID) + emb_total[:, None, :]
    base = base.reshape(B * NUM_GENES, HID)
    base = _bn(base, p['bn_pb_g'], p['bn_pb_be'])
    base = jax.nn.relu(base)
    out = _mlp2(base, p, 'rec')
    out = out.reshape(B, NUM_GENES, HID)
    w = (out[..., None] * p['indv_w1'][None]).sum(axis=2)  # [B, G, 1]
    out1 = w + p['indv_b1']
    cg = _mlp2(out1.reshape(B, NUM_GENES), p, 'cg')  # [B, HID]
    cg = jnp.tile(cg, (1, NUM_GENES)).reshape(B, NUM_GENES, HID)
    cc = jnp.concatenate([out1, cg], axis=2)  # [B, G, HID+1]
    cc = (cc * p['indv_w2']).sum(axis=2) + p['indv_b2']  # [B, G]
    outf = cc.reshape(B * NUM_GENES, 1) + x2.reshape(-1, 1)
    return outf.reshape(B, NUM_GENES)


def setup_inputs(seed: int = 0):
    key = jax.random.key(seed)

    def nrm(i, shape, s=0.02):
        return jax.random.normal(jax.random.fold_in(key, i), shape, dtype=jnp.float32) * s

    x = jax.random.normal(jax.random.fold_in(key, 0), (B * (NUM_GENES + 1), 1), dtype=jnp.float32)
    pert_idx = jax.random.randint(jax.random.fold_in(key, 1), (B, 2), 0, NUM_PERTS)
    edge_index = jax.random.randint(jax.random.fold_in(key, 2), (2, E), 0, NUM_PERTS)
    edge_weight = jax.random.uniform(jax.random.fold_in(key, 3), (E,), dtype=jnp.float32)
    params = {
        'gene_emb': nrm(10, (NUM_GENES, HID), 1.0),
        'pert_emb': nrm(11, (NUM_PERTS, HID), 1.0),
        'sg_W': nrm(12, (HID, HID)), 'sg_b': jnp.zeros(HID),
        'bn_emb_g': jnp.ones(HID), 'bn_emb_be': jnp.zeros(HID),
        'fuse_W0': nrm(13, (HID, HID)), 'fuse_b0': jnp.zeros(HID), 'fuse_g0': jnp.ones(HID), 'fuse_be0': jnp.zeros(HID),
        'fuse_W1': nrm(14, (HID, HID)), 'fuse_b1': jnp.zeros(HID), 'fuse_g1': jnp.ones(HID), 'fuse_be1': jnp.zeros(HID),
        'bn_pb_g': jnp.ones(HID), 'bn_pb_be': jnp.zeros(HID),
        'rec_W0': nrm(15, (2 * HID, HID)), 'rec_b0': jnp.zeros(2 * HID), 'rec_g0': jnp.ones(2 * HID), 'rec_be0': jnp.zeros(2 * HID),
        'rec_W1': nrm(16, (HID, 2 * HID)), 'rec_b1': jnp.zeros(HID), 'rec_g1': jnp.ones(HID), 'rec_be1': jnp.zeros(HID),
        'indv_w1': nrm(17, (NUM_GENES, HID, 1), 0.05), 'indv_b1': nrm(18, (NUM_GENES, 1), 0.05),
        'cg_W0': nrm(19, (HID, NUM_GENES)), 'cg_b0': jnp.zeros(HID), 'cg_g0': jnp.ones(HID), 'cg_be0': jnp.zeros(HID),
        'cg_W1': nrm(20, (HID, HID)), 'cg_b1': jnp.zeros(HID), 'cg_g1': jnp.ones(HID), 'cg_be1': jnp.zeros(HID),
        'indv_w2': nrm(21, (1, NUM_GENES, HID + 1), 0.05), 'indv_b2': nrm(22, (1, NUM_GENES), 0.05),
    }
    return {'x': x, 'pert_idx': pert_idx, 'edge_index': edge_index, 'edge_weight': edge_weight, 'params': params}


def reference(x, pert_idx, edge_index, edge_weight, params):
    return _forward(x, edge_weight, params, pert_idx, edge_index)

if __name__ == "__main__":
    import jax
    _d = setup_inputs()
    print(jax.jit(kernel)(*tuple(_d.values())))

</pallas_src>

<mosaic_0001>
#map = affine_map<(d0, d1) -> (0, 0, 0)>
#map1 = affine_map<(d0, d1) -> (0)>
module attributes {stable_mosaic.version = 14 : i64} {
  func.func @_sc_body(%arg0: i32, %arg1: i32, %arg2: memref<32x125x80xi32, #tpu.memory_space<hbm>>, %arg3: memref<32x125x80xi32, #tpu.memory_space<hbm>>, %arg4: memref<32x125x80xf32, #tpu.memory_space<hbm>>, %arg5: memref<16xi32, #tpu.memory_space<hbm>>, %arg6: memref<2x1x10240xf32, #tpu.memory_space<hbm>>, %arg7: memref<2x1x163840xf32, #tpu.memory_space<hbm>>, %arg8: memref<163840xf32, #tpu.memory_space<vmem_shared>>, %arg9: memref<10240xf32, #tpu.memory_space<vmem_shared>>, %arg10: memref<125x80xi32, #tpu.memory_space<vmem>>, %arg11: memref<125x80xi32, #tpu.memory_space<vmem>>, %arg12: memref<16xi32, #tpu.memory_space<vmem>>, %arg13: memref<!tpu.dma_semaphore, #tpu.memory_space<semaphore_mem>>, %arg14: memref<10000xi32, #tpu.memory_space<vmem>>, %arg15: memref<125x80xi32, #tpu.memory_space<vmem>>, %arg16: memref<125x80xf32, #tpu.memory_space<vmem>>, %arg17: memref<125x80xf32, #tpu.memory_space<vmem>>, %arg18: memref<10240xf32, #tpu.memory_space<vmem>>) attributes {dimension_semantics = [#tpu.dimension_semantics<core_parallel>, #tpu.dimension_semantics<subcore_parallel>], iteration_bounds = array<i64: 2, 16>, scalar_prefetch = 0 : i64, scratch_operands = 11 : i64, tpu.core_type = #tpu.core_type<sc_vector_subcore>, window_params = [{transform_indices = #map}, {transform_indices = #map}, {transform_indices = #map}, {transform_indices = #map1}, {transform_indices = #map}, {transform_indices = #map}]} {
    %mul3A = arith.constant 16 : i32
    %mul3A_0 = arith.muli %arg0, %mul3A : i32
    %add3A = arith.addi %mul3A_0, %arg1 : i32
    %scan3A = arith.constant 0 : i32
    %scan3A_1 = arith.constant 0 : i32
    %scan3A_2 = arith.constant 128 : i32
    %scan3A_3 = arith.addi %scan3A_1, %scan3A_2 : i32
    %scan3A_4 = arith.constant 1 : i32
    %scan3A_5 = scf.for %scan3A_201 = %scan3A_1 to %scan3A_3 step %scan3A_4 iter_args(%scan3A_202 = %scan3A) -> (i32)  : i32 {
      %broadcast_in_dim3A_203 = arith.constant 0.000000e+00 : f32
      %broadcast_in_dim3A_204 = vector.broadcast %broadcast_in_dim3A_203 : f32 to vector<16xf32>
      %mul3A_205 = arith.constant 80 : i32
      %mul3A_206 = arith.muli %scan3A_201, %mul3A_205 : i32
      %add3A_207 = arith.constant 0 : i32
      %add3A_208 = arith.addi %mul3A_206, %add3A_207 : i32
      %swap3A = arith.index_cast %add3A_208 : i32 to index
      %swap3A_209 = tpu.vector_load %arg18[%swap3A] {strides = array<i32>} : memref<10240xf32, #tpu.memory_space<vmem>>, vector<16xf32>,
      tpu.vector_store %arg18[%swap3A], %broadcast_in_dim3A_204 {strides = array<i32>} : memref<10240xf32, #tpu.memory_space<vmem>>, vector<16xf32>,
      %broadcast_in_dim3A_210 = arith.constant 0.000000e+00 : f32
      %broadcast_in_dim3A_211 = vector.broadcast %broadcast_in_dim3A_210 : f32 to vector<16xf32>
      %mul3A_212 = arith.constant 80 : i32
      %mul3A_213 = arith.muli %scan3A_201, %mul3A_212 : i32
      %add3A_214 = arith.constant 16 : i32
      %add3A_215 = arith.addi %mul3A_213, %add3A_214 : i32
      %swap3A_216 = arith.index_cast %add3A_215 : i32 to index
      %swap3A_217 = tpu.vector_load %arg18[%swap3A_216] {strides = array<i32>} : memref<10240xf32, #tpu.memory_space<vmem>>, vector<16xf32>,
      tpu.vector_store %arg18[%swap3A_216], %broadcast_in_dim3A_211 {strides = array<i32>} : memref<10240xf32, #tpu.memory_space<vmem>>, vector<16xf32>,
      %broadcast_in_dim3A_218 = arith.constant 0.000000e+00 : f32
      %broadcast_in_dim3A_219 = vector.broadcast %broadcast_in_dim3A_218 : f32 to vector<16xf32>
      %mul3A_220 = arith.constant 80 : i32
      %mul3A_221 = arith.muli %scan3A_201, %mul3A_220 : i32
      %add3A_222 = arith.constant 32 : i32
      %add3A_223 = arith.addi %mul3A_221, %add3A_222 : i32
      %swap3A_224 = arith.index_cast %add3A_223 : i32 to index
      %swap3A_225 = tpu.vector_load %arg18[%swap3A_224] {strides = array<i32>} : memref<10240xf32, #tpu.memory_space<vmem>>, vector<16xf32>,
      tpu.vector_store %arg18[%swap3A_224], %broadcast_in_dim3A_219 {strides = array<i32>} : memref<10240xf32, #tpu.memory_space<vmem>>, vector<16xf32>,
      %broadcast_in_dim3A_226 = arith.constant 0.000000e+00 : f32
      %broadcast_in_dim3A_227 = vector.broadcast %broadcast_in_dim3A_226 : f32 to vector<16xf32>
      %mul3A_228 = arith.constant 80 : i32
      %mul3A_229 = arith.muli %scan3A_201, %mul3A_228 : i32
      %add3A_230 = arith.constant 48 : i32
      %add3A_231 = arith.addi %mul3A_229, %add3A_230 : i32
      %swap3A_232 = arith.index_cast %add3A_231 : i32 to index
      %swap3A_233 = tpu.vector_load %arg18[%swap3A_232] {strides = array<i32>} : memref<10240xf32, #tpu.memory_space<vmem>>, vector<16xf32>,
      tpu.vector_store %arg18[%swap3A_232], %broadcast_in_dim3A_227 {strides = array<i32>} : memref<10240xf32, #tpu.memory_space<vmem>>, vector<16xf32>,
      %broadcast_in_dim3A_234 = arith.constant 0.000000e+00 : f32
      %broadcast_in_dim3A_235 = vector.broadcast %broadcast_in_dim3A_234 : f32 to vector<16xf32>
      %mul3A_236 = arith.constant 80 : i32
      %mul3A_237 = arith.muli %scan3A_201, %mul3A_236 : i32
      %add3A_238 = arith.constant 64 : i32
      %add3A_239 = arith.addi %mul3A_237, %add3A_238 : i32
      %swap3A_240 = arith.index_cast %add3A_239 : i32 to index
      %swap3A_241 = tpu.vector_load %arg18[%swap3A_240] {strides = array<i32>} : memref<10240xf32, #tpu.memory_space<vmem>>, vector<16xf32>,
      tpu.vector_store %arg18[%swap3A_240], %broadcast_in_dim3A_235 {strides = array<i32>} : memref<10240xf32, #tpu.memory_space<vmem>>, vector<16xf32>,
      %scan3A_242 = arith.constant 0 : i32
      scf.yield %scan3A_242 : i32
    }
    %scan3A_6 = arith.constant 128 : i32
    %mul3A_7 = arith.constant 10240 : i32
    %mul3A_8 = arith.muli %arg1, %mul3A_7 : i32
    "tpu.region"() ({
      %run_scoped3A_201 = tpu.sem_alloc : memref<!tpu.dma_semaphore, #tpu.memory_space<semaphore_mem>>
      %dma_start3A = tpu.memref_slice %arg8[%mul3A_8] : memref<163840xf32, #tpu.memory_space<vmem_shared>> -> memref<10240xf32, #tpu.memory_space<vmem_shared>>
      %dma_start3A_202 = tpu.memref_slice %arg8[%mul3A_8] : memref<163840xf32, #tpu.memory_space<vmem_shared>> -> memref<10240xf32, #tpu.memory_space<vmem_shared>>
      tpu.enqueue_dma source(%arg18 : memref<10240xf32, #tpu.memory_space<vmem>>) target(%dma_start3A_202 : memref<10240xf32, #tpu.memory_space<vmem_shared>>) target_semaphore(%run_scoped3A_201 : memref<!tpu.dma_semaphore, #tpu.memory_space<semaphore_mem>>)
      %dma_wait3A = tpu.memref_slice %arg8[%mul3A_8] : memref<163840xf32, #tpu.memory_space<vmem_shared>> -> memref<10240xf32, #tpu.memory_space<vmem_shared>>
      %dma_wait3A_203 = tpu.memref_slice %arg8[%mul3A_8] : memref<163840xf32, #tpu.memory_space<vmem_shared>> -> memref<10240xf32, #tpu.memory_space<vmem_shared>>
      tpu.wait_dma2 semaphore(%run_scoped3A_201 : memref<!tpu.dma_semaphore, #tpu.memory_space<semaphore_mem>>) src(%arg18 : memref<10240xf32, #tpu.memory_space<vmem>>) dst(%dma_wait3A_203 : memref<10240xf32, #tpu.memory_space<vmem_shared>>)
      tpu.yield
    }) : () -> ()
    %mul3A_9 = arith.constant 640 : i32
    %mul3A_10 = arith.muli %arg1, %mul3A_9 : i32
    "tpu.region"() ({
      %run_scoped3A_201 = tpu.sem_alloc : memref<!tpu.dma_semaphore, #tpu.memory_space<semaphore_mem>>
      %dma_start3A = arith.constant 0 : i32
      %dma_start3A_202 = tpu.memref_slice %arg18[%dma_start3A] : memref<10240xf32, #tpu.memory_space<vmem>> -> memref<640xf32, #tpu.memory_space<vmem>>
      %dma_start3A_203 = tpu.memref_slice %arg9[%mul3A_10] : memref<10240xf32, #tpu.memory_space<vmem_shared>> -> memref<640xf32, #tpu.memory_space<vmem_shared>>
      %dma_start3A_204 = tpu.memref_slice %arg9[%mul3A_10] : memref<10240xf32, #tpu.memory_space<vmem_shared>> -> memref<640xf32, #tpu.memory_space<vmem_shared>>
      %dma_start3A_205 = arith.constant 0 : i32
      %dma_start3A_206 = tpu.memref_slice %arg18[%dma_start3A_205] : memref<10240xf32, #tpu.memory_space<vmem>> -> memref<640xf32, #tpu.memory_space<vmem>>
      tpu.enqueue_dma source(%dma_start3A_206 : memref<640xf32, #tpu.memory_space<vmem>>) target(%dma_start3A_204 : memref<640xf32, #tpu.memory_space<vmem_shared>>) target_semaphore(%run_scoped3A_201 : memref<!tpu.dma_semaphore, #tpu.memory_space<semaphore_mem>>)
      %dma_wait3A = arith.constant 0 : i32
      %dma_wait3A_207 = tpu.memref_slice %arg18[%dma_wait3A] : memref<10240xf32, #tpu.memory_space<vmem>> -> memref<640xf32, #tpu.memory_space<vmem>>
      %dma_wait3A_208 = tpu.memref_slice %arg9[%mul3A_10] : memref<10240xf32, #tpu.memory_space<vmem_shared>> -> memref<640xf32, #tpu.memory_space<vmem_shared>>
      %dma_wait3A_209 = tpu.memref_slice %arg9[%mul3A_10] : memref<10240xf32, #tpu.memory_space<vmem_shared>> -> memref<640xf32, #tpu.memory_space<vmem_shared>>
      %dma_wait3A_210 = arith.constant 0 : i32
      %dma_wait3A_211 = tpu.memref_slice %arg18[%dma_wait3A_210] : memref<10240xf32, #tpu.memory_space<vmem>> -> memref<640xf32, #tpu.memory_space<vmem>>
      tpu.wait_dma2 semaphore(%run_scoped3A_201 : memref<!tpu.dma_semaphore, #tpu.memory_space<semaphore_mem>>) src(%dma_wait3A_211 : memref<640xf32, #tpu.memory_space<vmem>>) dst(%dma_wait3A_209 : memref<640xf32, #tpu.memory_space<vmem_shared>>)
      tpu.yield
    }) : () -> ()
    "tpu.region"() ({
      %run_scoped3A_201 = tpu.sem_alloc : memref<!tpu.dma_semaphore, #tpu.memory_space<semaphore_mem>>
      tpu.enqueue_dma source(%arg5 : memref<16xi32, #tpu.memory_space<hbm>>) target(%arg12 : memref<16xi32, #tpu.memory_space<vmem>>) target_semaphore(%run_scoped3A_201 : memref<!tpu.dma_semaphore, #tpu.memory_space<semaphore_mem>>)
      tpu.wait_dma2 semaphore(%run_scoped3A_201 : memref<!tpu.dma_semaphore, #tpu.memory_space<semaphore_mem>>) src(%arg5 : memref<16xi32, #tpu.memory_space<hbm>>) dst(%arg12 : memref<16xi32, #tpu.memory_space<vmem>>)
      tpu.yield
    }) : () -> ()
    "tpu.region"() ({
      %run_scoped3A_201 = tpu.sem_alloc : memref<!tpu.dma_semaphore, #tpu.memory_space<semaphore_mem>>
      %dma_start3A = arith.constant 0 : i32
      %dma_start3A_202 = arith.constant 0 : i32
      %dma_start3A_203 = tpu.memref_slice %arg2[%add3A, %dma_start3A, %dma_start3A_202] : memref<32x125x80xi32, #tpu.memory_space<hbm>> -> memref<1x125x80xi32, #tpu.memory_space<hbm>>
      %dma_start3A_204 = tpu.memref_squeeze %dma_start3A_203 : memref<1x125x80xi32, #tpu.memory_space<hbm>> -> memref<125x80xi32, #tpu.memory_space<hbm>>
      %dma_start3A_205 = arith.constant 0 : i32
      %dma_start3A_206 = arith.constant 0 : i32
      %dma_start3A_207 = tpu.memref_slice %arg2[%add3A, %dma_start3A_205, %dma_start3A_206] : memref<32x125x80xi32, #tpu.memory_space<hbm>> -> memref<1x125x80xi32, #tpu.memory_space<hbm>>
      %dma_start3A_208 = tpu.memref_squeeze %dma_start3A_207 : memref<1x125x80xi32, #tpu.memory_space<hbm>> -> memref<125x80xi32, #tpu.memory_space<hbm>>
      tpu.enqueue_dma source(%dma_start3A_208 : memref<125x80xi32, #tpu.memory_space<hbm>>) target(%arg15 : memref<125x80xi32, #tpu.memory_space<vmem>>) target_semaphore(%run_scoped3A_201 : memref<!tpu.dma_semaphore, #tpu.memory_space<semaphore_mem>>)
      %dma_wait3A = arith.constant 0 : i32
      %dma_wait3A_209 = arith.constant 0 : i32
      %dma_wait3A_210 = tpu.memref_slice %arg2[%add3A, %dma_wait3A, %dma_wait3A_209] : memref<32x125x80xi32, #tpu.memory_space<hbm>> -> memref<1x125x80xi32, #tpu.memory_space<hbm>>
      %dma_wait3A_211 = tpu.memref_squeeze %dma_wait3A_210 : memref<1x125x80xi32, #tpu.memory_space<hbm>> -> memref<125x80xi32, #tpu.memory_space<hbm>>
      %dma_wait3A_212 = arith.constant 0 : i32
      %dma_wait3A_213 = arith.constant 0 : i32
      %dma_wait3A_214 = tpu.memref_slice %arg2[%add3A, %dma_wait3A_212, %dma_wait3A_213] : memref<32x125x80xi32, #tpu.memory_space<hbm>> -> memref<1x125x80xi32, #tpu.memory_space<hbm>>
      %dma_wait3A_215 = tpu.memref_squeeze %dma_wait3A_214 : memref<1x125x80xi32, #tpu.memory_space<hbm>> -> memref<125x80xi32, #tpu.memory_space<hbm>>
      tpu.wait_dma2 semaphore(%run_scoped3A_201 : memref<!tpu.dma_semaphore, #tpu.memory_space<semaphore_mem>>) src(%dma_wait3A_215 : memref<125x80xi32, #tpu.memory_space<hbm>>) dst(%arg15 : memref<125x80xi32, #tpu.memory_space<vmem>>)
      tpu.yield
    }) : () -> ()
    "tpu.region"() ({
      %run_scoped3A_201 = tpu.sem_alloc : memref<!tpu.dma_semaphore, #tpu.memory_space<semaphore_mem>>
      %dma_start3A = arith.constant 0 : i32
      %dma_start3A_202 = arith.constant 0 : i32
      %dma_start3A_203 = tpu.memref_slice %arg3[%add3A, %dma_start3A, %dma_start3A_202] : memref<32x125x80xi32, #tpu.memory_space<hbm>> -> memref<1x125x80xi32, #tpu.memory_space<hbm>>
      %dma_start3A_204 = tpu.memref_squeeze %dma_start3A_203 : memref<1x125x80xi32, #tpu.memory_space<hbm>> -> memref<125x80xi32, #tpu.memory_space<hbm>>
      %dma_start3A_205 = arith.constant 0 : i32
      %dma_start3A_206 = arith.constant 0 : i32
      %dma_start3A_207 = tpu.memref_slice %arg3[%add3A, %dma_start3A_205, %dma_start3A_206] : memref<32x125x80xi32, #tpu.memory_space<hbm>> -> memref<1x125x80xi32, #tpu.memory_space<hbm>>
      %dma_start3A_208 = tpu.memref_squeeze %dma_start3A_207 : memref<1x125x80xi32, #tpu.memory_space<hbm>> -> memref<125x80xi32, #tpu.memory_space<hbm>>
      tpu.enqueue_dma source(%dma_start3A_208 : memref<125x80xi32, #tpu.memory_space<hbm>>) target(%arg10 : memref<125x80xi32, #tpu.memory_space<vmem>>) target_semaphore(%run_scoped3A_201 : memref<!tpu.dma_semaphore, #tpu.memory_space<semaphore_mem>>)
      %dma_wait3A = arith.constant 0 : i32
      %dma_wait3A_209 = arith.constant 0 : i32
      %dma_wait3A_210 = tpu.memref_slice %arg3[%add3A, %dma_wait3A, %dma_wait3A_209] : memref<32x125x80xi32, #tpu.memory_space<hbm>> -> memref<1x125x80xi32, #tpu.memory_space<hbm>>
      %dma_wait3A_211 = tpu.memref_squeeze %dma_wait3A_210 : memref<1x125x80xi32, #tpu.memory_space<hbm>> -> memref<125x80xi32, #tpu.memory_space<hbm>>
      %dma_wait3A_212 = arith.constant 0 : i32
      %dma_wait3A_213 = arith.constant 0 : i32
      %dma_wait3A_214 = tpu.memref_slice %arg3[%add3A, %dma_wait3A_212, %dma_wait3A_213] : memref<32x125x80xi32, #tpu.memory_space<hbm>> -> memref<1x125x80xi32, #tpu.memory_space<hbm>>
      %dma_wait3A_215 = tpu.memref_squeeze %dma_wait3A_214 : memref<1x125x80xi32, #tpu.memory_space<hbm>> -> memref<125x80xi32, #tpu.memory_space<hbm>>
      tpu.wait_dma2 semaphore(%run_scoped3A_201 : memref<!tpu.dma_semaphore, #tpu.memory_space<semaphore_mem>>) src(%dma_wait3A_215 : memref<125x80xi32, #tpu.memory_space<hbm>>) dst(%arg10 : memref<125x80xi32, #tpu.memory_space<vmem>>)
      tpu.yield
    }) : () -> ()
    "tpu.region"() ({
      %run_scoped3A_201 = tpu.sem_alloc : memref<!tpu.dma_semaphore, #tpu.memory_space<semaphore_mem>>
      %dma_start3A = arith.constant 0 : i32
      %dma_start3A_202 = arith.constant 0 : i32
      %dma_start3A_203 = tpu.memref_slice %arg4[%add3A, %dma_start3A, %dma_start3A_202] : memref<32x125x80xf32, #tpu.memory_space<hbm>> -> memref<1x125x80xf32, #tpu.memory_space<hbm>>
      %dma_start3A_204 = tpu.memref_squeeze %dma_start3A_203 : memref<1x125x80xf32, #tpu.memory_space<hbm>> -> memref<125x80xf32, #tpu.memory_space<hbm>>
      %dma_start3A_205 = arith.constant 0 : i32
      %dma_start3A_206 = arith.constant 0 : i32
      %dma_start3A_207 = tpu.memref_slice %arg4[%add3A, %dma_start3A_205, %dma_start3A_206] : memref<32x125x80xf32, #tpu.memory_space<hbm>> -> memref<1x125x80xf32, #tpu.memory_space<hbm>>
      %dma_start3A_208 = tpu.memref_squeeze %dma_start3A_207 : memref<1x125x80xf32, #tpu.memory_space<hbm>> -> memref<125x80xf32, #tpu.memory_space<hbm>>
      tpu.enqueue_dma source(%dma_start3A_208 : memref<125x80xf32, #tpu.memory_space<hbm>>) target(%arg17 : memref<125x80xf32, #tpu.memory_space<vmem>>) target_semaphore(%run_scoped3A_201 : memref<!tpu.dma_semaphore, #tpu.memory_space<semaphore_mem>>)
      %dma_wait3A = arith.constant 0 : i32
      %dma_wait3A_209 = arith.constant 0 : i32
      %dma_wait3A_210 = tpu.memref_slice %arg4[%add3A, %dma_wait3A, %dma_wait3A_209] : memref<32x125x80xf32, #tpu.memory_space<hbm>> -> memref<1x125x80xf32, #tpu.memory_space<hbm>>
      %dma_wait3A_211 = tpu.memref_squeeze %dma_wait3A_210 : memref<1x125x80xf32, #tpu.memory_space<hbm>> -> memref<125x80xf32, #tpu.memory_space<hbm>>
      %dma_wait3A_212 = arith.constant 0 : i32
      %dma_wait3A_213 = arith.constant 0 : i32
      %dma_wait3A_214 = tpu.memref_slice %arg4[%add3A, %dma_wait3A_212, %dma_wait3A_213] : memref<32x125x80xf32, #tpu.memory_space<hbm>> -> memref<1x125x80xf32, #tpu.memory_space<hbm>>
      %dma_wait3A_215 = tpu.memref_squeeze %dma_wait3A_214 : memref<1x125x80xf32, #tpu.memory_space<hbm>> -> memref<125x80xf32, #tpu.memory_space<hbm>>
      tpu.wait_dma2 semaphore(%run_scoped3A_201 : memref<!tpu.dma_semaphore, #tpu.memory_space<semaphore_mem>>) src(%dma_wait3A_215 : memref<125x80xf32, #tpu.memory_space<hbm>>) dst(%arg17 : memref<125x80xf32, #tpu.memory_space<vmem>>)
      tpu.yield
    }) : () -> ()
    %scan3A_11 = arith.constant 0 : i32
    %scan3A_12 = arith.constant 0 : i32
    %scan3A_13 = arith.constant 125 : i32
    %scan3A_14 = arith.addi %scan3A_12, %scan3A_13 : i32
    %scan3A_15 = arith.constant 1 : i32
    %scan3A_16 = scf.for %scan3A_201 = %scan3A_12 to %scan3A_14 step %scan3A_15 iter_args(%scan3A_202 = %scan3A_11) -> (i32)  : i32 {
      %broadcast_in_dim3A_203 = arith.constant 0 : i32
      %broadcast_in_dim3A_204 = vector.broadcast %broadcast_in_dim3A_203 : i32 to vector<16xi32>
      %mul3A_205 = arith.constant 80 : i32
      %mul3A_206 = arith.muli %scan3A_201, %mul3A_205 : i32
      %add3A_207 = arith.constant 0 : i32
      %add3A_208 = arith.addi %mul3A_206, %add3A_207 : i32
      %swap3A = arith.index_cast %add3A_208 : i32 to index
      %swap3A_209 = tpu.vector_load %arg14[%swap3A] {strides = array<i32>} : memref<10000xi32, #tpu.memory_space<vmem>>, vector<16xi32>,
      tpu.vector_store %arg14[%swap3A], %broadcast_in_dim3A_204 {strides = array<i32>} : memref<10000xi32, #tpu.memory_space<vmem>>, vector<16xi32>,
      %broadcast_in_dim3A_210 = arith.constant 0 : i32
      %broadcast_in_dim3A_211 = vector.broadcast %broadcast_in_dim3A_210 : i32 to vector<16xi32>
      %mul3A_212 = arith.constant 80 : i32
      %mul3A_213 = arith.muli %scan3A_201, %mul3A_212 : i32
      %add3A_214 = arith.constant 16 : i32
      %add3A_215 = arith.addi %mul3A_213, %add3A_214 : i32
      %swap3A_216 = arith.index_cast %add3A_215 : i32 to index
      %swap3A_217 = tpu.vector_load %arg14[%swap3A_216] {strides = array<i32>} : memref<10000xi32, #tpu.memory_space<vmem>>, vector<16xi32>,
      tpu.vector_store %arg14[%swap3A_216], %broadcast_in_dim3A_211 {strides = array<i32>} : memref<10000xi32, #tpu.memory_space<vmem>>, vector<16xi32>,
      %broadcast_in_dim3A_218 = arith.constant 0 : i32
      %broadcast_in_dim3A_219 = vector.broadcast %broadcast_in_dim3A_218 : i32 to vector<16xi32>
      %mul3A_220 = arith.constant 80 : i32
      %mul3A_221 = arith.muli %scan3A_201, %mul3A_220 : i32
      %add3A_222 = arith.constant 32 : i32
      %add3A_223 = arith.addi %mul3A_221, %add3A_222 : i32
      %swap3A_224 = arith.index_cast %add3A_223 : i32 to index
      %swap3A_225 = tpu.vector_load %arg14[%swap3A_224] {strides = array<i32>} : memref<10000xi32, #tpu.memory_space<vmem>>, vector<16xi32>,
      tpu.vector_store %arg14[%swap3A_224], %broadcast_in_dim3A_219 {strides = array<i32>} : memref<10000xi32, #tpu.memory_space<vmem>>, vector<16xi32>,
      %broadcast_in_dim3A_226 = arith.constant 0 : i32
      %broadcast_in_dim3A_227 = vector.broadcast %broadcast_in_dim3A_226 : i32 to vector<16xi32>
      %mul3A_228 = arith.constant 80 : i32
      %mul3A_229 = arith.muli %scan3A_201, %mul3A_228 : i32
      %add3A_230 = arith.constant 48 : i32
      %add3A_231 = arith.addi %mul3A_229, %add3A_230 : i32
      %swap3A_232 = arith.index_cast %add3A_231 : i32 to index
      %swap3A_233 = tpu.vector_load %arg14[%swap3A_232] {strides = array<i32>} : memref<10000xi32, #tpu.memory_space<vmem>>, vector<16xi32>,
      tpu.vector_store %arg14[%swap3A_232], %broadcast_in_dim3A_227 {strides = array<i32>} : memref<10000xi32, #tpu.memory_space<vmem>>, vector<16xi32>,
      %broadcast_in_dim3A_234 = arith.constant 0 : i32
      %broadcast_in_dim3A_235 = vector.broadcast %broadcast_in_dim3A_234 : i32 to vector<16xi32>
      %mul3A_236 = arith.constant 80 : i32
      %mul3A_237 = arith.muli %scan3A_201, %mul3A_236 : i32
      %add3A_238 = arith.constant 64 : i32
      %add3A_239 = arith.addi %mul3A_237, %add3A_238 : i32
      %swap3A_240 = arith.index_cast %add3A_239 : i32 to index
      %swap3A_241 = tpu.vector_load %arg14[%swap3A_240] {strides = array<i32>} : memref<10000xi32, #tpu.memory_space<vmem>>, vector<16xi32>,
      tpu.vector_store %arg14[%swap3A_240], %broadcast_in_dim3A_235 {strides = array<i32>} : memref<10000xi32, #tpu.memory_space<vmem>>, vector<16xi32>,
      %scan3A_242 = arith.constant 0 : i32
      scf.yield %scan3A_242 : i32
    }
    %scan3A_17 = arith.constant 125 : i32
    %get3A = arith.constant 0 : index
    %get3A_18 = tpu.vector_load %arg12[%get3A] {strides = array<i32>} : memref<16xi32, #tpu.memory_space<vmem>>, vector<16xi32>,
    %broadcast_in_dim3A = arith.constant 16 : i32
    %broadcast_in_dim3A_19 = vector.broadcast %broadcast_in_dim3A : i32 to vector<16xi32>
    %slice3A = vector.extract_strided_slice %get3A_18 {offsets = [0], sizes = [1], strides = [1]} : vector<16xi32> to vector<1xi32>
    %squeeze3A = vector.extract %slice3A[0] : i32 from vector<1xi32>
    %eq3A = vector.broadcast %squeeze3A : i32 to vector<16xi32>
    %eq3A_20 = arith.cmpi eq, %get3A_18, %eq3A : vector<16xi32>
    %jit3A = arith.constant 0 : i32
    %jit3A_21 = arith.constant 16 : i32
    %broadcast_in_dim3A_22 = vector.broadcast %jit3A : i32 to vector<16xi32>
    %broadcast_in_dim3A_23 = vector.broadcast %jit3A_21 : i32 to vector<16xi32>
    %select_n3A = arith.select %eq3A_20, %broadcast_in_dim3A_22, %broadcast_in_dim3A_23 : vector<16xi1>, vector<16xi32>
    %min3A = arith.minsi %broadcast_in_dim3A_19, %select_n3A : vector<16xi32>
    %slice3A_24 = vector.extract_strided_slice %get3A_18 {offsets = [1], sizes = [1], strides = [1]} : vector<16xi32> to vector<1xi32>
    %squeeze3A_25 = vector.extract %slice3A_24[0] : i32 from vector<1xi32>
    %eq3A_26 = vector.broadcast %squeeze3A_25 : i32 to vector<16xi32>
    %eq3A_27 = arith.cmpi eq, %get3A_18, %eq3A_26 : vector<16xi32>
    %jit3A_28 = arith.constant 1 : i32
    %jit3A_29 = arith.constant 16 : i32
    %broadcast_in_dim3A_30 = vector.broadcast %jit3A_28 : i32 to vector<16xi32>
    %broadcast_in_dim3A_31 = vector.broadcast %jit3A_29 : i32 to vector<16xi32>
    %select_n3A_32 = arith.select %eq3A_27, %broadcast_in_dim3A_30, %broadcast_in_dim3A_31 : vector<16xi1>, vector<16xi32>
    %min3A_33 = arith.minsi %min3A, %select_n3A_32 : vector<16xi32>
    %slice3A_34 = vector.extract_strided_slice %get3A_18 {offsets = [2], sizes = [1], strides = [1]} : vector<16xi32> to vector<1xi32>
    %squeeze3A_35 = vector.extract %slice3A_34[0] : i32 from vector<1xi32>
    %eq3A_36 = vector.broadcast %squeeze3A_35 : i32 to vector<16xi32>
    %eq3A_37 = arith.cmpi eq, %get3A_18, %eq3A_36 : vector<16xi32>
    %jit3A_38 = arith.constant 2 : i32
    %jit3A_39 = arith.constant 16 : i32
    %broadcast_in_dim3A_40 = vector.broadcast %jit3A_38 : i32 to vector<16xi32>
    %broadcast_in_dim3A_41 = vector.broadcast %jit3A_39 : i32 to vector<16xi32>
    %select_n3A_42 = arith.select %eq3A_37, %broadcast_in_dim3A_40, %broadcast_in_dim3A_41 : vector<16xi1>, vector<16xi32>
    %min3A_43 = arith.minsi %min3A_33, %select_n3A_42 : vector<16xi32>
    %slice3A_44 = vector.extract_strided_slice %get3A_18 {offsets = [3], sizes = [1], strides = [1]} : vector<16xi32> to vector<1xi32>
    %squeeze3A_45 = vector.extract %slice3A_44[0] : i32 from vector<1xi32>
    %eq3A_46 = vector.broadcast %squeeze3A_45 : i32 to vector<16xi32>
    %eq3A_47 = arith.cmpi eq, %get3A_18, %eq3A_46 : vector<16xi32>
    %jit3A_48 = arith.constant 3 : i32
    %jit3A_49 = arith.constant 16 : i32
    %broadcast_in_dim3A_50 = vector.broadcast %jit3A_48 : i32 to vector<16xi32>
    %broadcast_in_dim3A_51 = vector.broadcast %jit3A_49 : i32 to vector<16xi32>
    %select_n3A_52 = arith.select %eq3A_47, %broadcast_in_dim3A_50, %broadcast_in_dim3A_51 : vector<16xi1>, vector<16xi32>
    %min3A_53 = arith.minsi %min3A_43, %select_n3A_52 : vector<16xi32>
    %slice3A_54 = vector.extract_strided_slice %get3A_18 {offsets = [4], sizes = [1], strides = [1]} : vector<16xi32> to vector<1xi32>
    %squeeze3A_55 = vector.extract %slice3A_54[0] : i32 from vector<1xi32>
    %eq3A_56 = vector.broadcast %squeeze3A_55 : i32 to vector<16xi32>
    %eq3A_57 = arith.cmpi eq, %get3A_18, %eq3A_56 : vector<16xi32>
    %jit3A_58 = arith.constant 4 : i32
    %jit3A_59 = arith.constant 16 : i32
    %broadcast_in_dim3A_60 = vector.broadcast %jit3A_58 : i32 to vector<16xi32>
    %broadcast_in_dim3A_61 = vector.broadcast %jit3A_59 : i32 to vector<16xi32>
    %select_n3A_62 = arith.select %eq3A_57, %broadcast_in_dim3A_60, %broadcast_in_dim3A_61 : vector<16xi1>, vector<16xi32>
    %min3A_63 = arith.minsi %min3A_53, %select_n3A_62 : vector<16xi32>
    %slice3A_64 = vector.extract_strided_slice %get3A_18 {offsets = [5], sizes = [1], strides = [1]} : vector<16xi32> to vector<1xi32>
    %squeeze3A_65 = vector.extract %slice3A_64[0] : i32 from vector<1xi32>
    %eq3A_66 = vector.broadcast %squeeze3A_65 : i32 to vector<16xi32>
    %eq3A_67 = arith.cmpi eq, %get3A_18, %eq3A_66 : vector<16xi32>
    %jit3A_68 = arith.constant 5 : i32
    %jit3A_69 = arith.constant 16 : i32
    %broadcast_in_dim3A_70 = vector.broadcast %jit3A_68 : i32 to vector<16xi32>
    %broadcast_in_dim3A_71 = vector.broadcast %jit3A_69 : i32 to vector<16xi32>
    %select_n3A_72 = arith.select %eq3A_67, %broadcast_in_dim3A_70, %broadcast_in_dim3A_71 : vector<16xi1>, vector<16xi32>
    %min3A_73 = arith.minsi %min3A_63, %select_n3A_72 : vector<16xi32>
    %slice3A_74 = vector.extract_strided_slice %get3A_18 {offsets = [6], sizes = [1], strides = [1]} : vector<16xi32> to vector<1xi32>
    %squeeze3A_75 = vector.extract %slice3A_74[0] : i32 from vector<1xi32>
    %eq3A_76 = vector.broadcast %squeeze3A_75 : i32 to vector<16xi32>
    %eq3A_77 = arith.cmpi eq, %get3A_18, %eq3A_76 : vector<16xi32>
    %jit3A_78 = arith.constant 6 : i32
    %jit3A_79 = arith.constant 16 : i32
    %broadcast_in_dim3A_80 = vector.broadcast %jit3A_78 : i32 to vector<16xi32>
    %broadcast_in_dim3A_81 = vector.broadcast %jit3A_79 : i32 to vector<16xi32>
    %select_n3A_82 = arith.select %eq3A_77, %broadcast_in_dim3A_80, %broadcast_in_dim3A_81 : vector<16xi1>, vector<16xi32>
    %min3A_83 = arith.minsi %min3A_73, %select_n3A_82 : vector<16xi32>
    %slice3A_84 = vector.extract_strided_slice %get3A_18 {offsets = [7], sizes = [1], strides = [1]} : vector<16xi32> to vector<1xi32>
    %squeeze3A_85 = vector.extract %slice3A_84[0] : i32 from vector<1xi32>
    %eq3A_86 = vector.broadcast %squeeze3A_85 : i32 to vector<16xi32>
    %eq3A_87 = arith.cmpi eq, %get3A_18, %eq3A_86 : vector<16xi32>
    %jit3A_88 = arith.constant 7 : i32
    %jit3A_89 = arith.constant 16 : i32
    %broadcast_in_dim3A_90 = vector.broadcast %jit3A_88 : i32 to vector<16xi32>
    %broadcast_in_dim3A_91 = vector.broadcast %jit3A_89 : i32 to vector<16xi32>
    %select_n3A_92 = arith.select %eq3A_87, %broadcast_in_dim3A_90, %broadcast_in_dim3A_91 : vector<16xi1>, vector<16xi32>
    %min3A_93 = arith.minsi %min3A_83, %select_n3A_92 : vector<16xi32>
    %slice3A_94 = vector.extract_strided_slice %get3A_18 {offsets = [8], sizes = [1], strides = [1]} : vector<16xi32> to vector<1xi32>
    %squeeze3A_95 = vector.extract %slice3A_94[0] : i32 from vector<1xi32>
    %eq3A_96 = vector.broadcast %squeeze3A_95 : i32 to vector<16xi32>
    %eq3A_97 = arith.cmpi eq, %get3A_18, %eq3A_96 : vector<16xi32>
    %jit3A_98 = arith.constant 8 : i32
    %jit3A_99 = arith.constant 16 : i32
    %broadcast_in_dim3A_100 = vector.broadcast %jit3A_98 : i32 to vector<16xi32>
    %broadcast_in_dim3A_101 = vector.broadcast %jit3A_99 : i32 to vector<16xi32>
    %select_n3A_102 = arith.select %eq3A_97, %broadcast_in_dim3A_100, %broadcast_in_dim3A_101 : vector<16xi1>, vector<16xi32>
    %min3A_103 = arith.minsi %min3A_93, %select_n3A_102 : vector<16xi32>
    %slice3A_104 = vector.extract_strided_slice %get3A_18 {offsets = [9], sizes = [1], strides = [1]} : vector<16xi32> to vector<1xi32>
    %squeeze3A_105 = vector.extract %slice3A_104[0] : i32 from vector<1xi32>
    %eq3A_106 = vector.broadcast %squeeze3A_105 : i32 to vector<16xi32>
    %eq3A_107 = arith.cmpi eq, %get3A_18, %eq3A_106 : vector<16xi32>
    %jit3A_108 = arith.constant 9 : i32
    %jit3A_109 = arith.constant 16 : i32
    %broadcast_in_dim3A_110 = vector.broadcast %jit3A_108 : i32 to vector<16xi32>
    %broadcast_in_dim3A_111 = vector.broadcast %jit3A_109 : i32 to vector<16xi32>
    %select_n3A_112 = arith.select %eq3A_107, %broadcast_in_dim3A_110, %broadcast_in_dim3A_111 : vector<16xi1>, vector<16xi32>
    %min3A_113 = arith.minsi %min3A_103, %select_n3A_112 : vector<16xi32>
    %slice3A_114 = vector.extract_strided_slice %get3A_18 {offsets = [10], sizes = [1], strides = [1]} : vector<16xi32> to vector<1xi32>
    %squeeze3A_115 = vector.extract %slice3A_114[0] : i32 from vector<1xi32>
    %eq3A_116 = vector.broadcast %squeeze3A_115 : i32 to vector<16xi32>
    %eq3A_117 = arith.cmpi eq, %get3A_18, %eq3A_116 : vector<16xi32>
    %jit3A_118 = arith.constant 10 : i32
    %jit3A_119 = arith.constant 16 : i32
    %broadcast_in_dim3A_120 = vector.broadcast %jit3A_118 : i32 to vector<16xi32>
    %broadcast_in_dim3A_121 = vector.broadcast %jit3A_119 : i32 to vector<16xi32>
    %select_n3A_122 = arith.select %eq3A_117, %broadcast_in_dim3A_120, %broadcast_in_dim3A_121 : vector<16xi1>, vector<16xi32>
    %min3A_123 = arith.minsi %min3A_113, %select_n3A_122 : vector<16xi32>
    %slice3A_124 = vector.extract_strided_slice %get3A_18 {offsets = [11], sizes = [1], strides = [1]} : vector<16xi32> to vector<1xi32>
    %squeeze3A_125 = vector.extract %slice3A_124[0] : i32 from vector<1xi32>
    %eq3A_126 = vector.broadcast %squeeze3A_125 : i32 to vector<16xi32>
    %eq3A_127 = arith.cmpi eq, %get3A_18, %eq3A_126 : vector<16xi32>
    %jit3A_128 = arith.constant 11 : i32
    %jit3A_129 = arith.constant 16 : i32
    %broadcast_in_dim3A_130 = vector.broadcast %jit3A_128 : i32 to vector<16xi32>
    %broadcast_in_dim3A_131 = vector.broadcast %jit3A_129 : i32 to vector<16xi32>
    %select_n3A_132 = arith.select %eq3A_127, %broadcast_in_dim3A_130, %broadcast_in_dim3A_131 : vector<16xi1>, vector<16xi32>
    %min3A_133 = arith.minsi %min3A_123, %select_n3A_132 : vector<16xi32>
    %slice3A_134 = vector.extract_strided_slice %get3A_18 {offsets = [12], sizes = [1], strides = [1]} : vector<16xi32> to vector<1xi32>
    %squeeze3A_135 = vector.extract %slice3A_134[0] : i32 from vector<1xi32>
    %eq3A_136 = vector.broadcast %squeeze3A_135 : i32 to vector<16xi32>
    %eq3A_137 = arith.cmpi eq, %get3A_18, %eq3A_136 : vector<16xi32>
    %jit3A_138 = arith.constant 12 : i32
    %jit3A_139 = arith.constant 16 : i32
    %broadcast_in_dim3A_140 = vector.broadcast %jit3A_138 : i32 to vector<16xi32>
    %broadcast_in_dim3A_141 = vector.broadcast %jit3A_139 : i32 to vector<16xi32>
    %select_n3A_142 = arith.select %eq3A_137, %broadcast_in_dim3A_140, %broadcast_in_dim3A_141 : vector<16xi1>, vector<16xi32>
    %min3A_143 = arith.minsi %min3A_133, %select_n3A_142 : vector<16xi32>
    %slice3A_144 = vector.extract_strided_slice %get3A_18 {offsets = [13], sizes = [1], strides = [1]} : vector<16xi32> to vector<1xi32>
    %squeeze3A_145 = vector.extract %slice3A_144[0] : i32 from vector<1xi32>
    %eq3A_146 = vector.broadcast %squeeze3A_145 : i32 to vector<16xi32>
    %eq3A_147 = arith.cmpi eq, %get3A_18, %eq3A_146 : vector<16xi32>
    %jit3A_148 = arith.constant 13 : i32
    %jit3A_149 = arith.constant 16 : i32
    %broadcast_in_dim3A_150 = vector.broadcast %jit3A_148 : i32 to vector<16xi32>
    %broadcast_in_dim3A_151 = vector.broadcast %jit3A_149 : i32 to vector<16xi32>
    %select_n3A_152 = arith.select %eq3A_147, %broadcast_in_dim3A_150, %broadcast_in_dim3A_151 : vector<16xi1>, vector<16xi32>
    %min3A_153 = arith.minsi %min3A_143, %select_n3A_152 : vector<16xi32>
    %slice3A_154 = vector.extract_strided_slice %get3A_18 {offsets = [14], sizes = [1], strides = [1]} : vector<16xi32> to vector<1xi32>
    %squeeze3A_155 = vector.extract %slice3A_154[0] : i32 from vector<1xi32>
    %eq3A_156 = vector.broadcast %squeeze3A_155 : i32 to vector<16xi32>
    %eq3A_157 = arith.cmpi eq, %get3A_18, %eq3A_156 : vector<16xi32>
    %jit3A_158 = arith.constant 14 : i32
    %jit3A_159 = arith.constant 16 : i32
    %broadcast_in_dim3A_160 = vector.broadcast %jit3A_158 : i32 to vector<16xi32>
    %broadcast_in_dim3A_161 = vector.broadcast %jit3A_159 : i32 to vector<16xi32>
    %select_n3A_162 = arith.select %eq3A_157, %broadcast_in_dim3A_160, %broadcast_in_dim3A_161 : vector<16xi1>, vector<16xi32>
    %min3A_163 = arith.minsi %min3A_153, %select_n3A_162 : vector<16xi32>
    %slice3A_164 = vector.extract_strided_slice %get3A_18 {offsets = [15], sizes = [1], strides = [1]} : vector<16xi32> to vector<1xi32>
    %squeeze3A_165 = vector.extract %slice3A_164[0] : i32 from vector<1xi32>
    %eq3A_166 = vector.broadcast %squeeze3A_165 : i32 to vector<16xi32>
    %eq3A_167 = arith.cmpi eq, %get3A_18, %eq3A_166 : vector<16xi32>
    %jit3A_168 = arith.constant 15 : i32
    %jit3A_169 = arith.constant 16 : i32
    %broadcast_in_dim3A_170 = vector.broadcast %jit3A_168 : i32 to vector<16xi32>
    %broadcast_in_dim3A_171 = vector.broadcast %jit3A_169 : i32 to vector<16xi32>
    %select_n3A_172 = arith.select %eq3A_167, %broadcast_in_dim3A_170, %broadcast_in_dim3A_171 : vector<16xi1>, vector<16xi32>
    %min3A_173 = arith.minsi %min3A_163, %select_n3A_172 : vector<16xi32>
    %add3A_174 = arith.constant 1 : i32
    %add3A_175 = vector.broadcast %add3A_174 : i32 to vector<16xi32>
    %add3A_176 = arith.addi %min3A_173, %add3A_175 : vector<16xi32>
    tpu.vector_store_idx %arg14[%get3A_18], %add3A_176 : memref<10000xi32, #tpu.memory_space<vmem>>[vector<16xi32>], vector<16xi32>,
    %barrier3A = arith.constant 0 : index
    tpu.barrier barrier_id(%barrier3A)
    %scan3A_177 = arith.constant 0 : i32
    %scan3A_178 = arith.constant 0 : i32
    %scan3A_179 = arith.constant 125 : i32
    %scan3A_180 = arith.addi %scan3A_178, %scan3A_179 : i32
    %scan3A_181 = arith.constant 1 : i32
    %scan3A_182 = scf.for %scan3A_201 = %scan3A_178 to %scan3A_180 step %scan3A_181 iter_args(%scan3A_202 = %scan3A_177) -> (i32)  : i32 {
      %get3A_203 = arith.index_cast %scan3A_201 : i32 to index
      %get3A_204 = arith.constant 0 : index
      %get3A_205 = tpu.vector_load %arg15[%get3A_203, %get3A_204] {strides = array<i32>} : memref<125x80xi32, #tpu.memory_space<vmem>>, vector<16xi32>,
      %get3A_206 = arith.index_cast %scan3A_201 : i32 to index
      %get3A_207 = arith.constant 0 : index
      %get3A_208 = tpu.vector_load %arg10[%get3A_206, %get3A_207] {strides = array<i32>} : memref<125x80xi32, #tpu.memory_space<vmem>>, vector<16xi32>,
      %get3A_209 = arith.index_cast %scan3A_201 : i32 to index
      %get3A_210 = arith.constant 0 : index
      %get3A_211 = tpu.vector_load %arg17[%get3A_209, %get3A_210] {strides = array<i32>} : memref<125x80xf32, #tpu.memory_space<vmem>>, vector<16xf32>,
      %gather3A = tpu.vector_load_idx %arg14[%get3A_208] : memref<10000xi32, #tpu.memory_space<vmem>>[vector<16xi32>], vector<16xi32>,
      %mul3A_212 = arith.constant 16 : i32
      %mul3A_213 = vector.broadcast %mul3A_212 : i32 to vector<16xi32>
      %mul3A_214 = arith.muli %get3A_205, %mul3A_213 : vector<16xi32>
      %sub3A = arith.constant 1 : i32
      %sub3A_215 = vector.broadcast %sub3A : i32 to vector<16xi32>
      %sub3A_216 = arith.subi %gather3A, %sub3A_215 : vector<16xi32>
      %max3A = arith.constant 0 : i32
      %max3A_217 = vector.broadcast %max3A : i32 to vector<16xi32>
      %max3A_218 = arith.maxsi %sub3A_216, %max3A_217 : vector<16xi32>
      %add3A_219 = arith.addi %mul3A_214, %max3A_218 : vector<16xi32>
      %gt3A = arith.constant 0 : i32
      %gt3A_220 = vector.broadcast %gt3A : i32 to vector<16xi32>
      %gt3A_221 = arith.cmpi sgt, %gather3A, %gt3A_220 : vector<16xi32>
      %broadcast_in_dim3A_222 = arith.constant 0.000000e+00 : f32
      %broadcast_in_dim3A_223 = vector.broadcast %broadcast_in_dim3A_222 : f32 to vector<16xf32>
      %select_n3A_224 = arith.select %gt3A_221, %get3A_211, %broadcast_in_dim3A_223 : vector<16xi1>, vector<16xf32>
      %swap3A = arith.index_cast %scan3A_201 : i32 to index
      %swap3A_225 = arith.constant 0 : index
      %swap3A_226 = tpu.vector_load %arg11[%swap3A, %swap3A_225] {strides = array<i32>} : memref<125x80xi32, #tpu.memory_space<vmem>>, vector<16xi32>,
      tpu.vector_store %arg11[%swap3A, %swap3A_225], %add3A_219 {strides = array<i32>} : memref<125x80xi32, #tpu.memory_space<vmem>>, vector<16xi32>,
      %swap3A_227 = arith.index_cast %scan3A_201 : i32 to index
      %swap3A_228 = arith.constant 0 : index
      %swap3A_229 = tpu.vector_load %arg16[%swap3A_227, %swap3A_228] {strides = array<i32>} : memref<125x80xf32, #tpu.memory_space<vmem>>, vector<16xf32>,
      tpu.vector_store %arg16[%swap3A_227, %swap3A_228], %select_n3A_224 {strides = array<i32>} : memref<125x80xf32, #tpu.memory_space<vmem>>, vector<16xf32>,
      %get3A_230 = arith.index_cast %scan3A_201 : i32 to index
      %get3A_231 = arith.constant 16 : index
      %get3A_232 = tpu.vector_load %arg15[%get3A_230, %get3A_231] {strides = array<i32>} : memref<125x80xi32, #tpu.memory_space<vmem>>, vector<16xi32>,
      %get3A_233 = arith.index_cast %scan3A_201 : i32 to index
      %get3A_234 = arith.constant 16 : index
      %get3A_235 = tpu.vector_load %arg10[%get3A_233, %get3A_234] {strides = array<i32>} : memref<125x80xi32, #tpu.memory_space<vmem>>, vector<16xi32>,
      %get3A_236 = arith.index_cast %scan3A_201 : i32 to index
      %get3A_237 = arith.constant 16 : index
      %get3A_238 = tpu.vector_load %arg17[%get3A_236, %get3A_237] {strides = array<i32>} : memref<125x80xf32, #tpu.memory_space<vmem>>, vector<16xf32>,
      %gather3A_239 = tpu.vector_load_idx %arg14[%get3A_235] : memref<10000xi32, #tpu.memory_space<vmem>>[vector<16xi32>], vector<16xi32>,
      %mul3A_240 = arith.constant 16 : i32
      %mul3A_241 = vector.broadcast %mul3A_240 : i32 to vector<16xi32>
      %mul3A_242 = arith.muli %get3A_232, %mul3A_241 : vector<16xi32>
      %sub3A_243 = arith.constant 1 : i32
      %sub3A_244 = vector.broadcast %sub3A_243 : i32 to vector<16xi32>
      %sub3A_245 = arith.subi %gather3A_239, %sub3A_244 : vector<16xi32>
      %max3A_246 = arith.constant 0 : i32
      %max3A_247 = vector.broadcast %max3A_246 : i32 to vector<16xi32>
      %max3A_248 = arith.maxsi %sub3A_245, %max3A_247 : vector<16xi32>
      %add3A_249 = arith.addi %mul3A_242, %max3A_248 : vector<16xi32>
      %gt3A_250 = arith.constant 0 : i32
      %gt3A_251 = vector.broadcast %gt3A_250 : i32 to vector<16xi32>
      %gt3A_252 = arith.cmpi sgt, %gather3A_239, %gt3A_251 : vector<16xi32>
      %broadcast_in_dim3A_253 = arith.constant 0.000000e+00 : f32
      %broadcast_in_dim3A_254 = vector.broadcast %broadcast_in_dim3A_253 : f32 to vector<16xf32>
      %select_n3A_255 = arith.select %gt3A_252, %get3A_238, %broadcast_in_dim3A_254 : vector<16xi1>, vector<16xf32>
      %swap3A_256 = arith.index_cast %scan3A_201 : i32 to index
      %swap3A_257 = arith.constant 16 : index
      %swap3A_258 = tpu.vector_load %arg11[%swap3A_256, %swap3A_257] {strides = array<i32>} : memref<125x80xi32, #tpu.memory_space<vmem>>, vector<16xi32>,
      tpu.vector_store %arg11[%swap3A_256, %swap3A_257], %add3A_249 {strides = array<i32>} : memref<125x80xi32, #tpu.memory_space<vmem>>, vector<16xi32>,
      %swap3A_259 = arith.index_cast %scan3A_201 : i32 to index
      %swap3A_260 = arith.constant 16 : index
      %swap3A_261 = tpu.vector_load %arg16[%swap3A_259, %swap3A_260] {strides = array<i32>} : memref<125x80xf32, #tpu.memory_space<vmem>>, vector<16xf32>,
      tpu.vector_store %arg16[%swap3A_259, %swap3A_260], %select_n3A_255 {strides = array<i32>} : memref<125x80xf32, #tpu.memory_space<vmem>>, vector<16xf32>,
      %get3A_262 = arith.index_cast %scan3A_201 : i32 to index
      %get3A_263 = arith.constant 32 : index
      %get3A_264 = tpu.vector_load %arg15[%get3A_262, %get3A_263] {strides = array<i32>} : memref<125x80xi32, #tpu.memory_space<vmem>>, vector<16xi32>,
      %get3A_265 = arith.index_cast %scan3A_201 : i32 to index
      %get3A_266 = arith.constant 32 : index
      %get3A_267 = tpu.vector_load %arg10[%get3A_265, %get3A_266] {strides = array<i32>} : memref<125x80xi32, #tpu.memory_space<vmem>>, vector<16xi32>,
      %get3A_268 = arith.index_cast %scan3A_201 : i32 to index
      %get3A_269 = arith.constant 32 : index
      %get3A_270 = tpu.vector_load %arg17[%get3A_268, %get3A_269] {strides = array<i32>} : memref<125x80xf32, #tpu.memory_space<vmem>>, vector<16xf32>,
      %gather3A_271 = tpu.vector_load_idx %arg14[%get3A_267] : memref<10000xi32, #tpu.memory_space<vmem>>[vector<16xi32>], vector<16xi32>,
      %mul3A_272 = arith.constant 16 : i32
      %mul3A_273 = vector.broadcast %mul3A_272 : i32 to vector<16xi32>
      %mul3A_274 = arith.muli %get3A_264, %mul3A_273 : vector<16xi32>
      %sub3A_275 = arith.constant 1 : i32
      %sub3A_276 = vector.broadcast %sub3A_275 : i32 to vector<16xi32>
      %sub3A_277 = arith.subi %gather3A_271, %sub3A_276 : vector<16xi32>
      %max3A_278 = arith.constant 0 : i32
      %max3A_279 = vector.broadcast %max3A_278 : i32 to vector<16xi32>
      %max3A_280 = arith.maxsi %sub3A_277, %max3A_279 : vector<16xi32>
      %add3A_281 = arith.addi %mul3A_274, %max3A_280 : vector<16xi32>
      %gt3A_282 = arith.constant 0 : i32
      %gt3A_283 = vector.broadcast %gt3A_282 : i32 to vector<16xi32>
      %gt3A_284 = arith.cmpi sgt, %gather3A_271, %gt3A_283 : vector<16xi32>
      %broadcast_in_dim3A_285 = arith.constant 0.000000e+00 : f32
      %broadcast_in_dim3A_286 = vector.broadcast %broadcast_in_dim3A_285 : f32 to vector<16xf32>
      %select_n3A_287 = arith.select %gt3A_284, %get3A_270, %broadcast_in_dim3A_286 : vector<16xi1>, vector<16xf32>
      %swap3A_288 = arith.index_cast %scan3A_201 : i32 to index
      %swap3A_289 = arith.constant 32 : index
      %swap3A_290 = tpu.vector_load %arg11[%swap3A_288, %swap3A_289] {strides = array<i32>} : memref<125x80xi32, #tpu.memory_space<vmem>>, vector<16xi32>,
      tpu.vector_store %arg11[%swap3A_288, %swap3A_289], %add3A_281 {strides = array<i32>} : memref<125x80xi32, #tpu.memory_space<vmem>>, vector<16xi32>,
      %swap3A_291 = arith.index_cast %scan3A_201 : i32 to index
      %swap3A_292 = arith.constant 32 : index
      %swap3A_293 = tpu.vector_load %arg16[%swap3A_291, %swap3A_292] {strides = array<i32>} : memref<125x80xf32, #tpu.memory_space<vmem>>, vector<16xf32>,
      tpu.vector_store %arg16[%swap3A_291, %swap3A_292], %select_n3A_287 {strides = array<i32>} : memref<125x80xf32, #tpu.memory_space<vmem>>, vector<16xf32>,
      %get3A_294 = arith.index_cast %scan3A_201 : i32 to index
      %get3A_295 = arith.constant 48 : index
      %get3A_296 = tpu.vector_load %arg15[%get3A_294, %get3A_295] {strides = array<i32>} : memref<125x80xi32, #tpu.memory_space<vmem>>, vector<16xi32>,
      %get3A_297 = arith.index_cast %scan3A_201 : i32 to index
      %get3A_298 = arith.constant 48 : index
      %get3A_299 = tpu.vector_load %arg10[%get3A_297, %get3A_298] {strides = array<i32>} : memref<125x80xi32, #tpu.memory_space<vmem>>, vector<16xi32>,
      %get3A_300 = arith.index_cast %scan3A_201 : i32 to index
      %get3A_301 = arith.constant 48 : index
      %get3A_302 = tpu.vector_load %arg17[%get3A_300, %get3A_301] {strides = array<i32>} : memref<125x80xf32, #tpu.memory_space<vmem>>, vector<16xf32>,
      %gather3A_303 = tpu.vector_load_idx %arg14[%get3A_299] : memref<10000xi32, #tpu.memory_space<vmem>>[vector<16xi32>], vector<16xi32>,
      %mul3A_304 = arith.constant 16 : i32
      %mul3A_305 = vector.broadcast %mul3A_304 : i32 to vector<16xi32>
      %mul3A_306 = arith.muli %get3A_296, %mul3A_305 : vector<16xi32>
      %sub3A_307 = arith.constant 1 : i32
      %sub3A_308 = vector.broadcast %sub3A_307 : i32 to vector<16xi32>
      %sub3A_309 = arith.subi %gather3A_303, %sub3A_308 : vector<16xi32>
      %max3A_310 = arith.constant 0 : i32
      %max3A_311 = vector.broadcast %max3A_310 : i32 to vector<16xi32>
      %max3A_312 = arith.maxsi %sub3A_309, %max3A_311 : vector<16xi32>
      %add3A_313 = arith.addi %mul3A_306, %max3A_312 : vector<16xi32>
      %gt3A_314 = arith.constant 0 : i32
      %gt3A_315 = vector.broadcast %gt3A_314 : i32 to vector<16xi32>
      %gt3A_316 = arith.cmpi sgt, %gather3A_303, %gt3A_315 : vector<16xi32>
      %broadcast_in_dim3A_317 = arith.constant 0.000000e+00 : f32
      %broadcast_in_dim3A_318 = vector.broadcast %broadcast_in_dim3A_317 : f32 to vector<16xf32>
      %select_n3A_319 = arith.select %gt3A_316, %get3A_302, %broadcast_in_dim3A_318 : vector<16xi1>, vector<16xf32>
      %swap3A_320 = arith.index_cast %scan3A_201 : i32 to index
      %swap3A_321 = arith.constant 48 : index
      %swap3A_322 = tpu.vector_load %arg11[%swap3A_320, %swap3A_321] {strides = array<i32>} : memref<125x80xi32, #tpu.memory_space<vmem>>, vector<16xi32>,
      tpu.vector_store %arg11[%swap3A_320, %swap3A_321], %add3A_313 {strides = array<i32>} : memref<125x80xi32, #tpu.memory_space<vmem>>, vector<16xi32>,
      %swap3A_323 = arith.index_cast %scan3A_201 : i32 to index
      %swap3A_324 = arith.constant 48 : index
      %swap3A_325 = tpu.vector_load %arg16[%swap3A_323, %swap3A_324] {strides = array<i32>} : memref<125x80xf32, #tpu.memory_space<vmem>>, vector<16xf32>,
      tpu.vector_store %arg16[%swap3A_323, %swap3A_324], %select_n3A_319 {strides = array<i32>} : memref<125x80xf32, #tpu.memory_space<vmem>>, vector<16xf32>,
      %get3A_326 = arith.index_cast %scan3A_201 : i32 to index
      %get3A_327 = arith.constant 64 : index
      %get3A_328 = tpu.vector_load %arg15[%get3A_326, %get3A_327] {strides = array<i32>} : memref<125x80xi32, #tpu.memory_space<vmem>>, vector<16xi32>,
      %get3A_329 = arith.index_cast %scan3A_201 : i32 to index
      %get3A_330 = arith.constant 64 : index
      %get3A_331 = tpu.vector_load %arg10[%get3A_329, %get3A_330] {strides = array<i32>} : memref<125x80xi32, #tpu.memory_space<vmem>>, vector<16xi32>,
      %get3A_332 = arith.index_cast %scan3A_201 : i32 to index
      %get3A_333 = arith.constant 64 : index
      %get3A_334 = tpu.vector_load %arg17[%get3A_332, %get3A_333] {strides = array<i32>} : memref<125x80xf32, #tpu.memory_space<vmem>>, vector<16xf32>,
      %gather3A_335 = tpu.vector_load_idx %arg14[%get3A_331] : memref<10000xi32, #tpu.memory_space<vmem>>[vector<16xi32>], vector<16xi32>,
      %mul3A_336 = arith.constant 16 : i32
      %mul3A_337 = vector.broadcast %mul3A_336 : i32 to vector<16xi32>
      %mul3A_338 = arith.muli %get3A_328, %mul3A_337 : vector<16xi32>
      %sub3A_339 = arith.constant 1 : i32
      %sub3A_340 = vector.broadcast %sub3A_339 : i32 to vector<16xi32>
      %sub3A_341 = arith.subi %gather3A_335, %sub3A_340 : vector<16xi32>
      %max3A_342 = arith.constant 0 : i32
      %max3A_343 = vector.broadcast %max3A_342 : i32 to vector<16xi32>
      %max3A_344 = arith.maxsi %sub3A_341, %max3A_343 : vector<16xi32>
      %add3A_345 = arith.addi %mul3A_338, %max3A_344 : vector<16xi32>
      %gt3A_346 = arith.constant 0 : i32
      %gt3A_347 = vector.broadcast %gt3A_346 : i32 to vector<16xi32>
      %gt3A_348 = arith.cmpi sgt, %gather3A_335, %gt3A_347 : vector<16xi32>
      %broadcast_in_dim3A_349 = arith.constant 0.000000e+00 : f32
      %broadcast_in_dim3A_350 = vector.broadcast %broadcast_in_dim3A_349 : f32 to vector<16xf32>
      %select_n3A_351 = arith.select %gt3A_348, %get3A_334, %broadcast_in_dim3A_350 : vector<16xi1>, vector<16xf32>
      %swap3A_352 = arith.index_cast %scan3A_201 : i32 to index
      %swap3A_353 = arith.constant 64 : index
      %swap3A_354 = tpu.vector_load %arg11[%swap3A_352, %swap3A_353] {strides = array<i32>} : memref<125x80xi32, #tpu.memory_space<vmem>>, vector<16xi32>,
      tpu.vector_store %arg11[%swap3A_352, %swap3A_353], %add3A_345 {strides = array<i32>} : memref<125x80xi32, #tpu.memory_space<vmem>>, vector<16xi32>,
      %swap3A_355 = arith.index_cast %scan3A_201 : i32 to index
      %swap3A_356 = arith.constant 64 : index
      %swap3A_357 = tpu.vector_load %arg16[%swap3A_355, %swap3A_356] {strides = array<i32>} : memref<125x80xf32, #tpu.memory_space<vmem>>, vector<16xf32>,
      tpu.vector_store %arg16[%swap3A_355, %swap3A_356], %select_n3A_351 {strides = array<i32>} : memref<125x80xf32, #tpu.memory_space<vmem>>, vector<16xf32>,
      %dma_start3A = arith.constant 0 : i32
      %dma_start3A_358 = tpu.memref_slice %arg17[%scan3A_201, %dma_start3A] : memref<125x80xf32, #tpu.memory_space<vmem>> -> memref<1x80xf32, #tpu.memory_space<vmem>>
      %dma_start3A_359 = tpu.memref_squeeze %dma_start3A_358 : memref<1x80xf32, #tpu.memory_space<vmem>> -> memref<80xf32, #tpu.memory_space<vmem>>
      %dma_start3A_360 = arith.constant 0 : i32
      %dma_start3A_361 = tpu.memref_slice %arg10[%scan3A_201, %dma_start3A_360] : memref<125x80xi32, #tpu.memory_space<vmem>> -> memref<1x80xi32, #tpu.memory_space<vmem>>
      %dma_start3A_362 = tpu.memref_squeeze %dma_start3A_361 : memref<1x80xi32, #tpu.memory_space<vmem>> -> memref<80xi32, #tpu.memory_space<vmem>>
      %dma_start3A_363 = arith.constant 0 : i32
      %dma_start3A_364 = tpu.memref_slice %arg9[%dma_start3A_363] : memref<10240xf32, #tpu.memory_space<vmem_shared>> -> memref<10240xf32, #tpu.memory_space<vmem_shared>>
      tpu.enqueue_indirect_dma source(%dma_start3A_359 : memref<80xf32, #tpu.memory_space<vmem>>) target(%dma_start3A_364 : memref<10240xf32, #tpu.memory_space<vmem_shared>>) offsets(%dma_start3A_362 : memref<80xi32, #tpu.memory_space<vmem>>) semaphore(%arg13 : memref<!tpu.dma_semaphore, #tpu.memory_space<semaphore_mem>>) {add = true}
      %dma_start3A_365 = arith.constant 0 : i32
      %dma_start3A_366 = tpu.memref_slice %arg16[%scan3A_201, %dma_start3A_365] : memref<125x80xf32, #tpu.memory_space<vmem>> -> memref<1x80xf32, #tpu.memory_space<vmem>>
      %dma_start3A_367 = tpu.memref_squeeze %dma_start3A_366 : memref<1x80xf32, #tpu.memory_space<vmem>> -> memref<80xf32, #tpu.memory_space<vmem>>
      %dma_start3A_368 = arith.constant 0 : i32
      %dma_start3A_369 = tpu.memref_slice %arg11[%scan3A_201, %dma_start3A_368] : memref<125x80xi32, #tpu.memory_space<vmem>> -> memref<1x80xi32, #tpu.memory_space<vmem>>
      %dma_start3A_370 = tpu.memref_squeeze %dma_start3A_369 : memref<1x80xi32, #tpu.memory_space<vmem>> -> memref<80xi32, #tpu.memory_space<vmem>>
      %dma_start3A_371 = arith.constant 0 : i32
      %dma_start3A_372 = tpu.memref_slice %arg8[%dma_start3A_371] : memref<163840xf32, #tpu.memory_space<vmem_shared>> -> memref<163840xf32, #tpu.memory_space<vmem_shared>>
      tpu.enqueue_indirect_dma source(%dma_start3A_367 : memref<80xf32, #tpu.memory_space<vmem>>) target(%dma_start3A_372 : memref<163840xf32, #tpu.memory_space<vmem_shared>>) offsets(%dma_start3A_370 : memref<80xi32, #tpu.memory_space<vmem>>) semaphore(%arg13 : memref<!tpu.dma_semaphore, #tpu.memory_space<semaphore_mem>>) {add = true}
      %scan3A_373 = arith.constant 0 : i32
      scf.yield %scan3A_373 : i32
    }
    %scan3A_183 = arith.constant 125 : i32
    %scan3A_184 = arith.constant 0 : i32
    %scan3A_185 = arith.constant 0 : i32
    %scan3A_186 = arith.constant 125 : i32
    %scan3A_187 = arith.addi %scan3A_185, %scan3A_186 : i32
    %scan3A_188 = arith.constant 1 : i32
    %scan3A_189 = scf.for %scan3A_201 = %scan3A_185 to %scan3A_187 step %scan3A_188 iter_args(%scan3A_202 = %scan3A_184) -> (i32)  : i32 {
      %dma_wait3A = arith.constant 0 : i32
      %dma_wait3A_203 = tpu.memref_slice %arg17[%scan3A_201, %dma_wait3A] : memref<125x80xf32, #tpu.memory_space<vmem>> -> memref<1x80xf32, #tpu.memory_space<vmem>>
      %dma_wait3A_204 = tpu.memref_squeeze %dma_wait3A_203 : memref<1x80xf32, #tpu.memory_space<vmem>> -> memref<80xf32, #tpu.memory_space<vmem>>
      %dma_wait3A_205 = arith.constant 0 : i32
      %dma_wait3A_206 = tpu.memref_slice %arg10[%scan3A_201, %dma_wait3A_205] : memref<125x80xi32, #tpu.memory_space<vmem>> -> memref<1x80xi32, #tpu.memory_space<vmem>>
      %dma_wait3A_207 = tpu.memref_squeeze %dma_wait3A_206 : memref<1x80xi32, #tpu.memory_space<vmem>> -> memref<80xi32, #tpu.memory_space<vmem>>
      %dma_wait3A_208 = arith.constant 0 : i32
      %dma_wait3A_209 = tpu.memref_slice %arg9[%dma_wait3A_208] : memref<10240xf32, #tpu.memory_space<vmem_shared>> -> memref<10240xf32, #tpu.memory_space<vmem_shared>>
      tpu.wait_indirect_dma semaphore(%arg13 : memref<!tpu.dma_semaphore, #tpu.memory_space<semaphore_mem>>) src(%dma_wait3A_204 : memref<80xf32, #tpu.memory_space<vmem>>) dst(%dma_wait3A_209 : memref<10240xf32, #tpu.memory_space<vmem_shared>>)
      %dma_wait3A_210 = arith.constant 0 : i32
      %dma_wait3A_211 = tpu.memref_slice %arg16[%scan3A_201, %dma_wait3A_210] : memref<125x80xf32, #tpu.memory_space<vmem>> -> memref<1x80xf32, #tpu.memory_space<vmem>>
      %dma_wait3A_212 = tpu.memref_squeeze %dma_wait3A_211 : memref<1x80xf32, #tpu.memory_space<vmem>> -> memref<80xf32, #tpu.memory_space<vmem>>
      %dma_wait3A_213 = arith.constant 0 : i32
      %dma_wait3A_214 = tpu.memref_slice %arg11[%scan3A_201, %dma_wait3A_213] : memref<125x80xi32, #tpu.memory_space<vmem>> -> memref<1x80xi32, #tpu.memory_space<vmem>>
      %dma_wait3A_215 = tpu.memref_squeeze %dma_wait3A_214 : memref<1x80xi32, #tpu.memory_space<vmem>> -> memref<80xi32, #tpu.memory_space<vmem>>
      %dma_wait3A_216 = arith.constant 0 : i32
      %dma_wait3A_217 = tpu.memref_slice %arg8[%dma_wait3A_216] : memref<163840xf32, #tpu.memory_space<vmem_shared>> -> memref<163840xf32, #tpu.memory_space<vmem_shared>>
      tpu.wait_indirect_dma semaphore(%arg13 : memref<!tpu.dma_semaphore, #tpu.memory_space<semaphore_mem>>) src(%dma_wait3A_212 : memref<80xf32, #tpu.memory_space<vmem>>) dst(%dma_wait3A_217 : memref<163840xf32, #tpu.memory_space<vmem_shared>>)
      %scan3A_218 = arith.constant 0 : i32
      scf.yield %scan3A_218 : i32
    }
    %scan3A_190 = arith.constant 125 : i32
    %barrier3A_191 = arith.constant 0 : index
    tpu.barrier barrier_id(%barrier3A_191)
    %mul3A_192 = arith.constant 640 : i32
    %mul3A_193 = arith.muli %arg1, %mul3A_192 : i32
    %mul3A_194 = arith.constant 640 : i32
    %mul3A_195 = arith.muli %arg1, %mul3A_194 : i32
    %run_scoped3A = arith.constant 0 : i32
    "tpu.region"() ({
      %run_scoped3A_201 = tpu.sem_alloc : memref<!tpu.dma_semaphore, #tpu.memory_space<semaphore_mem>>
      %dma_start3A = tpu.memref_slice %arg6[%arg0, %run_scoped3A, %mul3A_195] : memref<2x1x10240xf32, #tpu.memory_space<hbm>> -> memref<1x1x640xf32, #tpu.memory_space<hbm>>
      %dma_start3A_202 = tpu.memref_squeeze %dma_start3A : memref<1x1x640xf32, #tpu.memory_space<hbm>> -> memref<640xf32, #tpu.memory_space<hbm>>
      %dma_start3A_203 = tpu.memref_slice %arg9[%mul3A_193] : memref<10240xf32, #tpu.memory_space<vmem_shared>> -> memref<640xf32, #tpu.memory_space<vmem_shared>>
      tpu.enqueue_dma source(%dma_start3A_203 : memref<640xf32, #tpu.memory_space<vmem_shared>>) target(%dma_start3A_202 : memref<640xf32, #tpu.memory_space<hbm>>) target_semaphore(%run_scoped3A_201 : memref<!tpu.dma_semaphore, #tpu.memory_space<semaphore_mem>>)
      %dma_wait3A = tpu.memref_slice %arg6[%arg0, %run_scoped3A, %mul3A_195] : memref<2x1x10240xf32, #tpu.memory_space<hbm>> -> memref<1x1x640xf32, #tpu.memory_space<hbm>>
      %dma_wait3A_204 = tpu.memref_squeeze %dma_wait3A : memref<1x1x640xf32, #tpu.memory_space<hbm>> -> memref<640xf32, #tpu.memory_space<hbm>>
      %dma_wait3A_205 = tpu.memref_slice %arg9[%mul3A_193] : memref<10240xf32, #tpu.memory_space<vmem_shared>> -> memref<640xf32, #tpu.memory_space<vmem_shared>>
      tpu.wait_dma2 semaphore(%run_scoped3A_201 : memref<!tpu.dma_semaphore, #tpu.memory_space<semaphore_mem>>) src(%dma_wait3A_205 : memref<640xf32, #tpu.memory_space<vmem_shared>>) dst(%dma_wait3A_204 : memref<640xf32, #tpu.memory_space<hbm>>)
      tpu.yield
    }) : () -> ()
    %mul3A_196 = arith.constant 10240 : i32
    %mul3A_197 = arith.muli %arg1, %mul3A_196 : i32
    %mul3A_198 = arith.constant 10240 : i32
    %mul3A_199 = arith.muli %arg1, %mul3A_198 : i32
    %run_scoped3A_200 = arith.constant 0 : i32
    "tpu.region"() ({
      %run_scoped3A_201 = tpu.sem_alloc : memref<!tpu.dma_semaphore, #tpu.memory_space<semaphore_mem>>
      %dma_start3A = tpu.memref_slice %arg7[%arg0, %run_scoped3A_200, %mul3A_199] : memref<2x1x163840xf32, #tpu.memory_space<hbm>> -> memref<1x1x10240xf32, #tpu.memory_space<hbm>>
      %dma_start3A_202 = tpu.memref_squeeze %dma_start3A : memref<1x1x10240xf32, #tpu.memory_space<hbm>> -> memref<10240xf32, #tpu.memory_space<hbm>>
      %dma_start3A_203 = tpu.memref_slice %arg8[%mul3A_197] : memref<163840xf32, #tpu.memory_space<vmem_shared>> -> memref<10240xf32, #tpu.memory_space<vmem_shared>>
      tpu.enqueue_dma source(%dma_start3A_203 : memref<10240xf32, #tpu.memory_space<vmem_shared>>) target(%dma_start3A_202 : memref<10240xf32, #tpu.memory_space<hbm>>) target_semaphore(%run_scoped3A_201 : memref<!tpu.dma_semaphore, #tpu.memory_space<semaphore_mem>>)
      %dma_wait3A = tpu.memref_slice %arg7[%arg0, %run_scoped3A_200, %mul3A_199] : memref<2x1x163840xf32, #tpu.memory_space<hbm>> -> memref<1x1x10240xf32, #tpu.memory_space<hbm>>
      %dma_wait3A_204 = tpu.memref_squeeze %dma_wait3A : memref<1x1x10240xf32, #tpu.memory_space<hbm>> -> memref<10240xf32, #tpu.memory_space<hbm>>
      %dma_wait3A_205 = tpu.memref_slice %arg8[%mul3A_197] : memref<163840xf32, #tpu.memory_space<vmem_shared>> -> memref<10240xf32, #tpu.memory_space<vmem_shared>>
      tpu.wait_dma2 semaphore(%run_scoped3A_201 : memref<!tpu.dma_semaphore, #tpu.memory_space<semaphore_mem>>) src(%dma_wait3A_205 : memref<10240xf32, #tpu.memory_space<vmem_shared>>) dst(%dma_wait3A_204 : memref<10240xf32, #tpu.memory_space<hbm>>)
      tpu.yield
    }) : () -> ()
    return
  }
}

module attributes {stable_mosaic.version = 14 : i64} {
  func.func @_prep_body(%arg0: memref<5000x128xf32, #tpu.memory_space<vmem>>, %arg1: memref<2x10000x1xf32, #tpu.memory_space<vmem>>, %arg2: memref<2x10000x16xf32, #tpu.memory_space<vmem>>, %arg3: memref<10000x128xf32, #tpu.memory_space<vmem>>, %arg4: memref<1x16xi32, #tpu.memory_space<vmem>>, %arg5: memref<1x128xf32, #tpu.memory_space<vmem>>, %arg6: memref<1x128xf32, #tpu.memory_space<vmem>>, %arg7: memref<128x128xf32, #tpu.memory_space<vmem>>, %arg8: memref<1x128xf32, #tpu.memory_space<vmem>>, %arg9: memref<128x128xf32, #tpu.memory_space<vmem>>, %arg10: memref<1x128xf32, #tpu.memory_space<vmem>>, %arg11: memref<1x128xf32, #tpu.memory_space<vmem>>, %arg12: memref<1x128xf32, #tpu.memory_space<vmem>>, %arg13: memref<128x128xf32, #tpu.memory_space<vmem>>, %arg14: memref<1x128xf32, #tpu.memory_space<vmem>>, %arg15: memref<1x128xf32, #tpu.memory_space<vmem>>, %arg16: memref<1x128xf32, #tpu.memory_space<vmem>>, %arg17: memref<1x128xf32, #tpu.memory_space<vmem>>, %arg18: memref<1x128xf32, #tpu.memory_space<vmem>>, %arg19: memref<1x128xf32, #tpu.memory_space<vmem>>, %arg20: memref<8x128xf32, #tpu.memory_space<vmem>>) attributes {dimension_semantics = [], scalar_prefetch = 0 : i64, scratch_operands = 0 : i64, tpu.core_type = #tpu.core_type<tc>} {
    %get3A = arith.constant 0 : index
    %get3A_0 = arith.constant 0 : index
    %get3A_1 = arith.constant 0 : index
    %get3A_2 = vector.load %arg1[%get3A, %get3A_0, %get3A_1] : memref<2x10000x1xf32, #tpu.memory_space<vmem>>, vector<1x10000x1xf32>
    %get3A_3 = vector.shape_cast %get3A_2 : vector<1x10000x1xf32> to vector<10000x1xf32>
    %get3A_4 = arith.constant 1 : index
    %get3A_5 = arith.constant 0 : index
    %get3A_6 = arith.constant 0 : index
    %get3A_7 = vector.load %arg1[%get3A_4, %get3A_5, %get3A_6] : memref<2x10000x1xf32, #tpu.memory_space<vmem>>, vector<1x10000x1xf32>
    %get3A_8 = vector.shape_cast %get3A_7 : vector<1x10000x1xf32> to vector<10000x1xf32>
    %add3A = arith.addf %get3A_3, %get3A_8 : vector<10000x1xf32>
    %add3A_9 = arith.constant 1.000000e+00 : f32
    %add3A_10 = vector.broadcast %add3A_9 : f32 to vector<10000x1xf32>
    %add3A_11 = arith.addf %add3A, %add3A_10 : vector<10000x1xf32>
    %add3A_12 = arith.constant 9.99999996E-13 : f32
    %add3A_13 = vector.broadcast %add3A_12 : f32 to vector<10000x1xf32>
    %add3A_14 = arith.addf %add3A_11, %add3A_13 : vector<10000x1xf32>
    %rsqrt3A = math.rsqrt %add3A_14 : vector<10000x1xf32>
    %get3A_15 = arith.constant 0 : index
    %get3A_16 = arith.constant 0 : index
    %get3A_17 = arith.constant 0 : index
    %get3A_18 = vector.load %arg2[%get3A_15, %get3A_16, %get3A_17] : memref<2x10000x16xf32, #tpu.memory_space<vmem>>, vector<1x10000x16xf32>
    %get3A_19 = vector.shape_cast %get3A_18 : vector<1x10000x16xf32> to vector<10000x16xf32>
    %get3A_20 = arith.constant 1 : index
    %get3A_21 = arith.constant 0 : index
    %get3A_22 = arith.constant 0 : index
    %get3A_23 = vector.load %arg2[%get3A_20, %get3A_21, %get3A_22] : memref<2x10000x16xf32, #tpu.memory_space<vmem>>, vector<1x10000x16xf32>
    %get3A_24 = vector.shape_cast %get3A_23 : vector<1x10000x16xf32> to vector<10000x16xf32>
    %add3A_25 = arith.addf %get3A_19, %get3A_24 : vector<10000x16xf32>
    %get3A_26 = arith.constant 0 : index
    %get3A_27 = arith.constant 0 : index
    %get3A_28 = vector.load %arg4[%get3A_26, %get3A_27] : memref<1x16xi32, #tpu.memory_space<vmem>>, vector<1x16xi32>
    %iota3A = tpu.iota {dimensions = array<i32: 0>} : vector<10000x16xi32>
    %eq3A = vector.broadcast %get3A_28 : vector<1x16xi32> to vector<10000x16xi32>
    %eq3A_29 = arith.cmpi eq, %iota3A, %eq3A : vector<10000x16xi32>
    %convert_element_type3A = arith.extui %eq3A_29 : vector<10000x16xi1> to vector<10000x16xi32>
    %convert_element_type3A_30 = arith.sitofp %convert_element_type3A : vector<10000x16xi32> to vector<10000x16xf32>
    %mul3A = vector.broadcast %rsqrt3A : vector<10000x1xf32> to vector<10000x16xf32>
    %mul3A_31 = arith.mulf %convert_element_type3A_30, %mul3A : vector<10000x16xf32>
    %reduce_sum3A = arith.constant dense<0.000000e+00> : vector<16xf32>
    %reduce_sum3A_32 = vector.multi_reduction <add>, %mul3A_31, %reduce_sum3A [0] : vector<10000x16xf32> to vector<16xf32>
    %broadcast_in_dim3A = vector.shape_cast %reduce_sum3A_32 : vector<16xf32> to vector<1x16xf32>
    %mul3A_33 = vector.broadcast %rsqrt3A : vector<10000x1xf32> to vector<10000x16xf32>
    %mul3A_34 = arith.mulf %mul3A_33, %add3A_25 : vector<10000x16xf32>
    %mul3A_35 = vector.broadcast %broadcast_in_dim3A : vector<1x16xf32> to vector<10000x16xf32>
    %mul3A_36 = arith.mulf %mul3A_34, %mul3A_35 : vector<10000x16xf32>
    %mul3A_37 = arith.mulf %broadcast_in_dim3A, %broadcast_in_dim3A : vector<1x16xf32>
    %mul3A_38 = vector.broadcast %mul3A_37 : vector<1x16xf32> to vector<10000x16xf32>
    %mul3A_39 = arith.mulf %convert_element_type3A_30, %mul3A_38 : vector<10000x16xf32>
    %add3A_40 = arith.addf %mul3A_36, %mul3A_39 : vector<10000x16xf32>
    %get3A_41 = arith.constant 0 : index
    %get3A_42 = arith.constant 0 : index
    %get3A_43 = vector.load %arg3[%get3A_41, %get3A_42] : memref<10000x128xf32, #tpu.memory_space<vmem>>, vector<10000x128xf32>
    %dot_general3A = arith.constant dense<0.000000e+00> : vector<16x128xf32>
    %dot_general3A_44 = tpu.matmul %add3A_40, %get3A_43, %dot_general3A {dimension_numbers = #tpu.dot_dimension_numbers<[0], [0], [1], [1], [0, 1, 1, 1], [], []>, precision = #tpu.contract_precision<fp32>, transpose_lhs_hint = false} : vector<10000x16xf32>, vector<10000x128xf32>, vector<16x128xf32> -> vector<16x128xf32>
    %iota3A_45 = tpu.iota {dimensions = array<i32: 1>} : vector<16x16xi32>
    %transpose3A = tpu.transpose %get3A_28, [1, 0] : vector<1x16xi32> -> vector<16x1xi32>
    %eq3A_46 = vector.broadcast %transpose3A : vector<16x1xi32> to vector<16x16xi32>
    %eq3A_47 = vector.broadcast %get3A_28 : vector<1x16xi32> to vector<16x16xi32>
    %eq3A_48 = arith.cmpi eq, %eq3A_46, %eq3A_47 : vector<16x16xi32>
    %jit3A = arith.constant 16 : i32
    %broadcast_in_dim3A_49 = vector.broadcast %jit3A : i32 to vector<16x16xi32>
    %select_n3A = arith.select %eq3A_48, %iota3A_45, %broadcast_in_dim3A_49 : vector<16x16xi1>, vector<16x16xi32>
    %reduce_min3A = arith.constant dense<2147483647> : vector<16xi32>
    %reduce_min3A_50 = vector.multi_reduction <minsi>, %select_n3A, %reduce_min3A [1] : vector<16x16xi32> to vector<16xi32>
    %broadcast_in_dim3A_51 = vector.shape_cast %reduce_min3A_50 : vector<16xi32> to vector<16x1xi32>
    %eq3A_52 = vector.broadcast %broadcast_in_dim3A_51 : vector<16x1xi32> to vector<16x16xi32>
    %eq3A_53 = arith.cmpi eq, %eq3A_52, %iota3A_45 : vector<16x16xi32>
    %convert_element_type3A_54 = arith.extui %eq3A_53 : vector<16x16xi1> to vector<16x16xi32>
    %convert_element_type3A_55 = arith.sitofp %convert_element_type3A_54 : vector<16x16xi32> to vector<16x16xf32>
    %dot_general3A_56 = arith.constant dense<0.000000e+00> : vector<16x128xf32>
    %dot_general3A_57 = tpu.matmul %convert_element_type3A_55, %dot_general3A_44, %dot_general3A_56 {dimension_numbers = #tpu.dot_dimension_numbers<[1], [0], [0], [1], [0, 0, 1, 1], [], []>, precision = #tpu.contract_precision<fp32>, transpose_lhs_hint = false} : vector<16x16xf32>, vector<16x128xf32>, vector<16x128xf32> -> vector<16x128xf32>
    %reshape3A = vector.shape_cast %dot_general3A_57 : vector<16x128xf32> to vector<8x2x128xf32>
    %reduce_sum3A_58 = arith.constant dense<0.000000e+00> : vector<8x128xf32>
    %reduce_sum3A_59 = vector.multi_reduction <add>, %reshape3A, %reduce_sum3A_58 [1] : vector<8x2x128xf32> to vector<8x128xf32>
    %get3A_60 = arith.constant 0 : index
    %get3A_61 = arith.constant 0 : index
    %get3A_62 = vector.load %arg7[%get3A_60, %get3A_61] : memref<128x128xf32, #tpu.memory_space<vmem>>, vector<128x128xf32>
    %dot_general3A_63 = arith.constant dense<0.000000e+00> : vector<8x128xf32>
    %dot_general3A_64 = tpu.matmul %reduce_sum3A_59, %get3A_62, %dot_general3A_63 {dimension_numbers = #tpu.dot_dimension_numbers<[1], [1], [0], [0], [0, 0, 1, 0], [], []>, precision = #tpu.contract_precision<fp32>, transpose_lhs_hint = false} : vector<8x128xf32>, vector<128x128xf32>, vector<8x128xf32> -> vector<8x128xf32>
    %get3A_65 = arith.constant 0 : index
    %get3A_66 = arith.constant 0 : index
    %get3A_67 = vector.load %arg8[%get3A_65, %get3A_66] : memref<1x128xf32, #tpu.memory_space<vmem>>, vector<1x128xf32>
    %mul3A_68 = arith.constant 2.000000e+00 : f32
    %mul3A_69 = vector.broadcast %mul3A_68 : f32 to vector<1x128xf32>
    %mul3A_70 = arith.mulf %mul3A_69, %get3A_67 : vector<1x128xf32>
    %add3A_71 = vector.broadcast %mul3A_70 : vector<1x128xf32> to vector<8x128xf32>
    %add3A_72 = arith.addf %dot_general3A_64, %add3A_71 : vector<8x128xf32>
    %get3A_73 = arith.constant 0 : index
    %get3A_74 = arith.constant 0 : index
    %get3A_75 = vector.load %arg9[%get3A_73, %get3A_74] : memref<128x128xf32, #tpu.memory_space<vmem>>, vector<128x128xf32>
    %dot_general3A_76 = arith.constant dense<0.000000e+00> : vector<8x128xf32>
    %dot_general3A_77 = tpu.matmul %add3A_72, %get3A_75, %dot_general3A_76 {dimension_numbers = #tpu.dot_dimension_numbers<[1], [1], [0], [0], [0, 0, 1, 0], [], []>, precision = #tpu.contract_precision<fp32>, transpose_lhs_hint = false} : vector<8x128xf32>, vector<128x128xf32>, vector<8x128xf32> -> vector<8x128xf32>
    %get3A_78 = arith.constant 0 : index
    %get3A_79 = arith.constant 0 : index
    %get3A_80 = vector.load %arg10[%get3A_78, %get3A_79] : memref<1x128xf32, #tpu.memory_space<vmem>>, vector<1x128xf32>
    %add3A_81 = vector.broadcast %get3A_80 : vector<1x128xf32> to vector<8x128xf32>
    %add3A_82 = arith.addf %dot_general3A_77, %add3A_81 : vector<8x128xf32>
    %get3A_83 = arith.constant 0 : index
    %get3A_84 = arith.constant 0 : index
    %get3A_85 = vector.load %arg11[%get3A_83, %get3A_84] : memref<1x128xf32, #tpu.memory_space<vmem>>, vector<1x128xf32>
    %get3A_86 = arith.constant 0 : index
    %get3A_87 = arith.constant 0 : index
    %get3A_88 = vector.load %arg12[%get3A_86, %get3A_87] : memref<1x128xf32, #tpu.memory_space<vmem>>, vector<1x128xf32>
    %reduce_sum3A_89 = arith.constant dense<0.000000e+00> : vector<128xf32>
    %reduce_sum3A_90 = vector.multi_reduction <add>, %add3A_82, %reduce_sum3A_89 [0] : vector<8x128xf32> to vector<128xf32>
    %broadcast_in_dim3A_91 = vector.shape_cast %reduce_sum3A_90 : vector<128xf32> to vector<1x128xf32>
    %div3A = arith.constant 8.000000e+00 : f32
    %div3A_92 = vector.broadcast %div3A : f32 to vector<1x128xf32>
    %div3A_93 = arith.divf %broadcast_in_dim3A_91, %div3A_92 : vector<1x128xf32>
    %sub3A = vector.broadcast %div3A_93 : vector<1x128xf32> to vector<8x128xf32>
    %sub3A_94 = arith.subf %add3A_82, %sub3A : vector<8x128xf32>
    %mul3A_95 = arith.mulf %sub3A_94, %sub3A_94 : vector<8x128xf32>
    %reduce_sum3A_96 = arith.constant dense<0.000000e+00> : vector<128xf32>
    %reduce_sum3A_97 = vector.multi_reduction <add>, %mul3A_95, %reduce_sum3A_96 [0] : vector<8x128xf32> to vector<128xf32>
    %broadcast_in_dim3A_98 = vector.shape_cast %reduce_sum3A_97 : vector<128xf32> to vector<1x128xf32>
    %div3A_99 = arith.constant 8.000000e+00 : f32
    %div3A_100 = vector.broadcast %div3A_99 : f32 to vector<1x128xf32>
    %div3A_101 = arith.divf %broadcast_in_dim3A_98, %div3A_100 : vector<1x128xf32>
    %add3A_102 = arith.constant 9.99999974E-6 : f32
    %add3A_103 = vector.broadcast %add3A_102 : f32 to vector<1x128xf32>
    %add3A_104 = arith.addf %div3A_101, %add3A_103 : vector<1x128xf32>
    %rsqrt3A_105 = math.rsqrt %add3A_104 : vector<1x128xf32>
    %mul3A_106 = vector.broadcast %rsqrt3A_105 : vector<1x128xf32> to vector<8x128xf32>
    %mul3A_107 = arith.mulf %sub3A_94, %mul3A_106 : vector<8x128xf32>
    %mul3A_108 = vector.broadcast %get3A_85 : vector<1x128xf32> to vector<8x128xf32>
    %mul3A_109 = arith.mulf %mul3A_107, %mul3A_108 : vector<8x128xf32>
    %add3A_110 = vector.broadcast %get3A_88 : vector<1x128xf32> to vector<8x128xf32>
    %add3A_111 = arith.addf %mul3A_109, %add3A_110 : vector<8x128xf32>
    %max3A = arith.constant 0.000000e+00 : f32
    %max3A_112 = vector.broadcast %max3A : f32 to vector<8x128xf32>
    %max3A_113 = arith.maximumf %add3A_111, %max3A_112 : vector<8x128xf32>
    %get3A_114 = arith.constant 0 : index
    %get3A_115 = arith.constant 0 : index
    %get3A_116 = vector.load %arg13[%get3A_114, %get3A_115] : memref<128x128xf32, #tpu.memory_space<vmem>>, vector<128x128xf32>
    %dot_general3A_117 = arith.constant dense<0.000000e+00> : vector<8x128xf32>
    %dot_general3A_118 = tpu.matmul %max3A_113, %get3A_116, %dot_general3A_117 {dimension_numbers = #tpu.dot_dimension_numbers<[1], [1], [0], [0], [0, 0, 1, 0], [], []>, precision = #tpu.contract_precision<fp32>, transpose_lhs_hint = false} : vector<8x128xf32>, vector<128x128xf32>, vector<8x128xf32> -> vector<8x128xf32>
    %get3A_119 = arith.constant 0 : index
    %get3A_120 = arith.constant 0 : index
    %get3A_121 = vector.load %arg14[%get3A_119, %get3A_120] : memref<1x128xf32, #tpu.memory_space<vmem>>, vector<1x128xf32>
    %add3A_122 = vector.broadcast %get3A_121 : vector<1x128xf32> to vector<8x128xf32>
    %add3A_123 = arith.addf %dot_general3A_118, %add3A_122 : vector<8x128xf32>
    %get3A_124 = arith.constant 0 : index
    %get3A_125 = arith.constant 0 : index
    %get3A_126 = vector.load %arg15[%get3A_124, %get3A_125] : memref<1x128xf32, #tpu.memory_space<vmem>>, vector<1x128xf32>
    %get3A_127 = arith.constant 0 : index
    %get3A_128 = arith.constant 0 : index
    %get3A_129 = vector.load %arg16[%get3A_127, %get3A_128] : memref<1x128xf32, #tpu.memory_space<vmem>>, vector<1x128xf32>
    %reduce_sum3A_130 = arith.constant dense<0.000000e+00> : vector<128xf32>
    %reduce_sum3A_131 = vector.multi_reduction <add>, %add3A_123, %reduce_sum3A_130 [0] : vector<8x128xf32> to vector<128xf32>
    %broadcast_in_dim3A_132 = vector.shape_cast %reduce_sum3A_131 : vector<128xf32> to vector<1x128xf32>
    %div3A_133 = arith.constant 8.000000e+00 : f32
    %div3A_134 = vector.broadcast %div3A_133 : f32 to vector<1x128xf32>
    %div3A_135 = arith.divf %broadcast_in_dim3A_132, %div3A_134 : vector<1x128xf32>
    %sub3A_136 = vector.broadcast %div3A_135 : vector<1x128xf32> to vector<8x128xf32>
    %sub3A_137 = arith.subf %add3A_123, %sub3A_136 : vector<8x128xf32>
    %mul3A_138 = arith.mulf %sub3A_137, %sub3A_137 : vector<8x128xf32>
    %reduce_sum3A_139 = arith.constant dense<0.000000e+00> : vector<128xf32>
    %reduce_sum3A_140 = vector.multi_reduction <add>, %mul3A_138, %reduce_sum3A_139 [0] : vector<8x128xf32> to vector<128xf32>
    %broadcast_in_dim3A_141 = vector.shape_cast %reduce_sum3A_140 : vector<128xf32> to vector<1x128xf32>
    %div3A_142 = arith.constant 8.000000e+00 : f32
    %div3A_143 = vector.broadcast %div3A_142 : f32 to vector<1x128xf32>
    %div3A_144 = arith.divf %broadcast_in_dim3A_141, %div3A_143 : vector<1x128xf32>
    %add3A_145 = arith.constant 9.99999974E-6 : f32
    %add3A_146 = vector.broadcast %add3A_145 : f32 to vector<1x128xf32>
    %add3A_147 = arith.addf %div3A_144, %add3A_146 : vector<1x128xf32>
    %rsqrt3A_148 = math.rsqrt %add3A_147 : vector<1x128xf32>
    %mul3A_149 = vector.broadcast %rsqrt3A_148 : vector<1x128xf32> to vector<8x128xf32>
    %mul3A_150 = arith.mulf %sub3A_137, %mul3A_149 : vector<8x128xf32>
    %mul3A_151 = vector.broadcast %get3A_126 : vector<1x128xf32> to vector<8x128xf32>
    %mul3A_152 = arith.mulf %mul3A_150, %mul3A_151 : vector<8x128xf32>
    %add3A_153 = vector.broadcast %get3A_129 : vector<1x128xf32> to vector<8x128xf32>
    %add3A_154 = arith.addf %mul3A_152, %add3A_153 : vector<8x128xf32>
    %get3A_155 = arith.constant 0 : index
    %get3A_156 = arith.constant 0 : index
    %get3A_157 = vector.load %arg0[%get3A_155, %get3A_156] : memref<5000x128xf32, #tpu.memory_space<vmem>>, vector<5000x128xf32>
    %reduce_sum3A_158 = arith.constant dense<0.000000e+00> : vector<128xf32>
    %reduce_sum3A_159 = vector.multi_reduction <add>, %get3A_157, %reduce_sum3A_158 [0] : vector<5000x128xf32> to vector<128xf32>
    %broadcast_in_dim3A_160 = vector.shape_cast %reduce_sum3A_159 : vector<128xf32> to vector<1x128xf32>
    %div3A_161 = arith.constant 5.000000e+03 : f32
    %div3A_162 = vector.broadcast %div3A_161 : f32 to vector<1x128xf32>
    %div3A_163 = arith.divf %broadcast_in_dim3A_160, %div3A_162 : vector<1x128xf32>
    %mul3A_164 = arith.mulf %get3A_157, %get3A_157 : vector<5000x128xf32>
    %reduce_sum3A_165 = arith.constant dense<0.000000e+00> : vector<128xf32>
    %reduce_sum3A_166 = vector.multi_reduction <add>, %mul3A_164, %reduce_sum3A_165 [0] : vector<5000x128xf32> to vector<128xf32>
    %broadcast_in_dim3A_167 = vector.shape_cast %reduce_sum3A_166 : vector<128xf32> to vector<1x128xf32>
    %div3A_168 = arith.constant 5.000000e+03 : f32
    %div3A_169 = vector.broadcast %div3A_168 : f32 to vector<1x128xf32>
    %div3A_170 = arith.divf %broadcast_in_dim3A_167, %div3A_169 : vector<1x128xf32>
    %mul3A_171 = arith.mulf %div3A_163, %div3A_163 : vector<1x128xf32>
    %sub3A_172 = arith.subf %div3A_170, %mul3A_171 : vector<1x128xf32>
    %add3A_173 = arith.constant 9.99999974E-6 : f32
    %add3A_174 = vector.broadcast %add3A_173 : f32 to vector<1x128xf32>
    %add3A_175 = arith.addf %sub3A_172, %add3A_174 : vector<1x128xf32>
    %rsqrt3A_176 = math.rsqrt %add3A_175 : vector<1x128xf32>
    %get3A_177 = arith.constant 0 : index
    %get3A_178 = arith.constant 0 : index
    %get3A_179 = vector.load %arg5[%get3A_177, %get3A_178] : memref<1x128xf32, #tpu.memory_space<vmem>>, vector<1x128xf32>
    %integer_pow3A = arith.mulf %get3A_179, %get3A_179 : vector<1x128xf32>
    %add3A_180 = arith.constant 9.99999974E-6 : f32
    %add3A_181 = vector.broadcast %add3A_180 : f32 to vector<1x128xf32>
    %add3A_182 = arith.addf %sub3A_172, %add3A_181 : vector<1x128xf32>
    %div3A_183 = arith.divf %sub3A_172, %add3A_182 : vector<1x128xf32>
    %mul3A_184 = arith.mulf %integer_pow3A, %div3A_183 : vector<1x128xf32>
    %reduce_sum3A_185 = arith.constant dense<0.000000e+00> : vector<128xf32>
    %reduce_sum3A_186 = vector.multi_reduction <add>, %add3A_154, %reduce_sum3A_185 [0] : vector<8x128xf32> to vector<128xf32>
    %broadcast_in_dim3A_187 = vector.shape_cast %reduce_sum3A_186 : vector<128xf32> to vector<1x128xf32>
    %div3A_188 = arith.constant 8.000000e+00 : f32
    %div3A_189 = vector.broadcast %div3A_188 : f32 to vector<1x128xf32>
    %div3A_190 = arith.divf %broadcast_in_dim3A_187, %div3A_189 : vector<1x128xf32>
    %sub3A_191 = vector.broadcast %div3A_190 : vector<1x128xf32> to vector<8x128xf32>
    %sub3A_192 = arith.subf %add3A_154, %sub3A_191 : vector<8x128xf32>
    %mul3A_193 = arith.mulf %sub3A_192, %sub3A_192 : vector<8x128xf32>
    %reduce_sum3A_194 = arith.constant dense<0.000000e+00> : vector<128xf32>
    %reduce_sum3A_195 = vector.multi_reduction <add>, %mul3A_193, %reduce_sum3A_194 [0] : vector<8x128xf32> to vector<128xf32>
    %broadcast_in_dim3A_196 = vector.shape_cast %reduce_sum3A_195 : vector<128xf32> to vector<1x128xf32>
    %div3A_197 = arith.constant 8.000000e+00 : f32
    %div3A_198 = vector.broadcast %div3A_197 : f32 to vector<1x128xf32>
    %div3A_199 = arith.divf %broadcast_in_dim3A_196, %div3A_198 : vector<1x128xf32>
    %get3A_200 = arith.constant 0 : index
    %get3A_201 = arith.constant 0 : index
    %get3A_202 = vector.load %arg6[%get3A_200, %get3A_201] : memref<1x128xf32, #tpu.memory_space<vmem>>, vector<1x128xf32>
    %add3A_203 = arith.addf %get3A_202, %div3A_190 : vector<1x128xf32>
    %get3A_204 = arith.constant 0 : index
    %get3A_205 = arith.constant 0 : index
    %get3A_206 = vector.load %arg17[%get3A_204, %get3A_205] : memref<1x128xf32, #tpu.memory_space<vmem>>, vector<1x128xf32>
    %add3A_207 = arith.addf %mul3A_184, %div3A_199 : vector<1x128xf32>
    %add3A_208 = arith.constant 9.99999974E-6 : f32
    %add3A_209 = vector.broadcast %add3A_208 : f32 to vector<1x128xf32>
    %add3A_210 = arith.addf %add3A_207, %add3A_209 : vector<1x128xf32>
    %rsqrt3A_211 = math.rsqrt %add3A_210 : vector<1x128xf32>
    %mul3A_212 = arith.mulf %get3A_206, %rsqrt3A_211 : vector<1x128xf32>
    %get3A_213 = arith.constant 0 : index
    %get3A_214 = arith.constant 0 : index
    %get3A_215 = vector.load %arg5[%get3A_213, %get3A_214] : memref<1x128xf32, #tpu.memory_space<vmem>>, vector<1x128xf32>
    %mul3A_216 = arith.mulf %rsqrt3A_176, %get3A_215 : vector<1x128xf32>
    %mul3A_217 = arith.mulf %mul3A_216, %mul3A_212 : vector<1x128xf32>
    %swap3A = arith.constant 0 : index
    %swap3A_218 = arith.constant 0 : index
    %swap3A_219 = vector.load %arg19[%swap3A, %swap3A_218] : memref<1x128xf32, #tpu.memory_space<vmem>>, vector<1x128xf32>
    tpu.vector_store %arg19[%swap3A, %swap3A_218], %mul3A_217 {strides = array<i32>} : memref<1x128xf32, #tpu.memory_space<vmem>>, vector<1x128xf32>,
    %get3A_220 = arith.constant 0 : index
    %get3A_221 = arith.constant 0 : index
    %get3A_222 = vector.load %arg6[%get3A_220, %get3A_221] : memref<1x128xf32, #tpu.memory_space<vmem>>, vector<1x128xf32>
    %mul3A_223 = arith.mulf %div3A_163, %rsqrt3A_176 : vector<1x128xf32>
    %get3A_224 = arith.constant 0 : index
    %get3A_225 = arith.constant 0 : index
    %get3A_226 = vector.load %arg5[%get3A_224, %get3A_225] : memref<1x128xf32, #tpu.memory_space<vmem>>, vector<1x128xf32>
    %mul3A_227 = arith.mulf %mul3A_223, %get3A_226 : vector<1x128xf32>
    %sub3A_228 = arith.subf %get3A_222, %mul3A_227 : vector<1x128xf32>
    %mul3A_229 = arith.mulf %sub3A_228, %mul3A_212 : vector<1x128xf32>
    %mul3A_230 = vector.broadcast %mul3A_212 : vector<1x128xf32> to vector<8x128xf32>
    %mul3A_231 = arith.mulf %add3A_154, %mul3A_230 : vector<8x128xf32>
    %get3A_232 = arith.constant 0 : index
    %get3A_233 = arith.constant 0 : index
    %get3A_234 = vector.load %arg18[%get3A_232, %get3A_233] : memref<1x128xf32, #tpu.memory_space<vmem>>, vector<1x128xf32>
    %add3A_235 = vector.broadcast %get3A_234 : vector<1x128xf32> to vector<8x128xf32>
    %add3A_236 = arith.addf %mul3A_231, %add3A_235 : vector<8x128xf32>
    %mul3A_237 = arith.mulf %add3A_203, %mul3A_212 : vector<1x128xf32>
    %sub3A_238 = vector.broadcast %mul3A_237 : vector<1x128xf32> to vector<8x128xf32>
    %sub3A_239 = arith.subf %add3A_236, %sub3A_238 : vector<8x128xf32>
    %add3A_240 = vector.broadcast %mul3A_229 : vector<1x128xf32> to vector<8x128xf32>
    %add3A_241 = arith.addf %sub3A_239, %add3A_240 : vector<8x128xf32>
    %swap3A_242 = arith.constant 0 : index
    %swap3A_243 = arith.constant 0 : index
    %swap3A_244 = vector.load %arg20[%swap3A_242, %swap3A_243] : memref<8x128xf32, #tpu.memory_space<vmem>>, vector<8x128xf32>
    tpu.vector_store %arg20[%swap3A_242, %swap3A_243], %add3A_241 {strides = array<i32>} : memref<8x128xf32, #tpu.memory_space<vmem>>, vector<8x128xf32>,
    return
  }
}

module attributes {stable_mosaic.version = 14 : i64} {
  func.func @_tc_body(%arg0: i32, %arg1: i32, %arg2: memref<1000x128xf32, #tpu.memory_space<vmem>>, %arg3: memref<1x128xf32, #tpu.memory_space<vmem>>, %arg4: memref<8x128xf32, #tpu.memory_space<vmem>>, %arg5: memref<256x128xf32, #tpu.memory_space<vmem>>, %arg6: memref<1x256xf32, #tpu.memory_space<vmem>>, %arg7: memref<1x256xf32, #tpu.memory_space<vmem>>, %arg8: memref<1x256xf32, #tpu.memory_space<vmem>>, %arg9: memref<128x256xf32, #tpu.memory_space<vmem>>, %arg10: memref<1x128xf32, #tpu.memory_space<vmem>>, %arg11: memref<1x128xf32, #tpu.memory_space<vmem>>, %arg12: memref<1x128xf32, #tpu.memory_space<vmem>>, %arg13: memref<1000x128xf32, #tpu.memory_space<vmem>>, %arg14: memref<1000x1xf32, #tpu.memory_space<vmem>>, %arg15: memref<8x5000xf32, #tpu.memory_space<vmem>>, %arg16: memref<128x5000xf32, #tpu.memory_space<vmem>>, %arg17: memref<1x128xf32, #tpu.memory_space<vmem>>, %arg18: memref<1x128xf32, #tpu.memory_space<vmem>>, %arg19: memref<1x128xf32, #tpu.memory_space<vmem>>, %arg20: memref<128x128xf32, #tpu.memory_space<vmem>>, %arg21: memref<1x128xf32, #tpu.memory_space<vmem>>, %arg22: memref<1x128xf32, #tpu.memory_space<vmem>>, %arg23: memref<1x128xf32, #tpu.memory_space<vmem>>, %arg24: memref<1x5000xf32, #tpu.memory_space<vmem>>, %arg25: memref<5000x128xf32, #tpu.memory_space<vmem>>, %arg26: memref<1x5000xf32, #tpu.memory_space<vmem>>, %arg27: memref<8x5000xf32, #tpu.memory_space<vmem>>, %arg28: memref<1x128xf32, #tpu.memory_space<vmem>>, %arg29: memref<128x128xf32, #tpu.memory_space<vmem>>, %arg30: memref<1x128xf32, #tpu.memory_space<vmem>>, %arg31: memref<1x128xf32, #tpu.memory_space<vmem>>, %arg32: memref<8x5000x128xf32, #tpu.memory_space<vmem>>, %arg33: memref<5000x8xf32, #tpu.memory_space<vmem>>) attributes {dimension_semantics = [#tpu.dimension_semantics<arbitrary>, #tpu.dimension_semantics<arbitrary>], iteration_bounds = array<i64: 4, 5>, scalar_prefetch = 0 : i64, scratch_operands = 6 : i64, tpu.core_type = #tpu.core_type<tc>, window_params = [{transform_indices = @transform_0, window_bounds = array<i64: 1000, 128>}, {pipeline_mode = #tpu.pipeline_mode<synchronous>, transform_indices = @transform_1, window_bounds = array<i64: 1, 128>}, {pipeline_mode = #tpu.pipeline_mode<synchronous>, transform_indices = @transform_2, window_bounds = array<i64: 8, 128>}, {pipeline_mode = #tpu.pipeline_mode<synchronous>, transform_indices = @transform_3, window_bounds = array<i64: 256, 128>}, {pipeline_mode = #tpu.pipeline_mode<synchronous>, transform_indices = @transform_4, window_bounds = array<i64: 1, 256>}, {pipeline_mode = #tpu.pipeline_mode<synchronous>, transform_indices = @transform_5, window_bounds = array<i64: 1, 256>}, {pipeline_mode = #tpu.pipeline_mode<synchronous>, transform_indices = @transform_6, window_bounds = array<i64: 1, 256>}, {pipeline_mode = #tpu.pipeline_mode<synchronous>, transform_indices = @transform_7, window_bounds = array<i64: 128, 256>}, {pipeline_mode = #tpu.pipeline_mode<synchronous>, transform_indices = @transform_8, window_bounds = array<i64: 1, 128>}, {pipeline_mode = #tpu.pipeline_mode<synchronous>, transform_indices = @transform_9, window_bounds = array<i64: 1, 128>}, {pipeline_mode = #tpu.pipeline_mode<synchronous>, transform_indices = @transform_10, window_bounds = array<i64: 1, 128>}, {transform_indices = @transform_11, window_bounds = array<i64: 1000, 128>}, {transform_indices = @transform_12, window_bounds = array<i64: 1000, 1>}, {pipeline_mode = #tpu.pipeline_mode<synchronous>, transform_indices = @transform_13, window_bounds = array<i64: 8, 5000>}, {pipeline_mode = #tpu.pipeline_mode<synchronous>, transform_indices = @transform_14, window_bounds = array<i64: 128, 5000>}, {pipeline_mode = #tpu.pipeline_mode<synchronous>, transform_indices = @transform_15, window_bounds = array<i64: 1, 128>}, {pipeline_mode = #tpu.pipeline_mode<synchronous>, transform_indices = @transform_16, window_bounds = array<i64: 1, 128>}, {pipeline_mode = #tpu.pipeline_mode<synchronous>, transform_indices = @transform_17, window_bounds = array<i64: 1, 128>}, {pipeline_mode = #tpu.pipeline_mode<synchronous>, transform_indices = @transform_18, window_bounds = array<i64: 128, 128>}, {pipeline_mode = #tpu.pipeline_mode<synchronous>, transform_indices = @transform_19, window_bounds = array<i64: 1, 128>}, {pipeline_mode = #tpu.pipeline_mode<synchronous>, transform_indices = @transform_20, window_bounds = array<i64: 1, 128>}, {pipeline_mode = #tpu.pipeline_mode<synchronous>, transform_indices = @transform_21, window_bounds = array<i64: 1, 128>}, {pipeline_mode = #tpu.pipeline_mode<synchronous>, transform_indices = @transform_22, window_bounds = array<i64: 1, 5000>}, {pipeline_mode = #tpu.pipeline_mode<synchronous>, transform_indices = @transform_23, window_bounds = array<i64: 5000, 128>}, {pipeline_mode = #tpu.pipeline_mode<synchronous>, transform_indices = @transform_24, window_bounds = array<i64: 1, 5000>}, {pipeline_mode = #tpu.pipeline_mode<synchronous>, transform_indices = @transform_25, window_bounds = array<i64: 8, 5000>}]} {
    %mul3A = arith.constant 1000 : i32
    %mul3A_0 = arith.muli %arg1, %mul3A : i32
    %multiple_of3A = tpu.assume_multiple %mul3A_0, 1000 : i32
    %eq3A = arith.constant 0 : i32
    %eq3A_1 = arith.cmpi eq, %arg0, %eq3A : i32
    %eq3A_2 = arith.constant 0 : i32
    %eq3A_3 = arith.cmpi eq, %arg1, %eq3A_2 : i32
    %and3A = arith.andi %eq3A_1, %eq3A_3 : i1
    %convert_element_type3A = arith.extui %and3A : i1 to i32
    %cond3A = arith.constant 0 : i32
    %cond3A_4 = arith.cmpi ne, %convert_element_type3A, %cond3A : i32
    scf.if %cond3A_4 {
      %broadcast_in_dim3A = arith.constant 0.000000e+00 : f32
      %broadcast_in_dim3A_28 = vector.broadcast %broadcast_in_dim3A : f32 to vector<1x128xf32>
      %swap3A = arith.constant 0 : index
      %swap3A_29 = arith.constant 0 : index
      %swap3A_30 = vector.load %arg28[%swap3A, %swap3A_29] : memref<1x128xf32, #tpu.memory_space<vmem>>, vector<1x128xf32>
      tpu.vector_store %arg28[%swap3A, %swap3A_29], %broadcast_in_dim3A_28 {strides = array<i32>} : memref<1x128xf32, #tpu.memory_space<vmem>>, vector<1x128xf32>,
      %broadcast_in_dim3A_31 = arith.constant 0.000000e+00 : f32
      %broadcast_in_dim3A_32 = vector.broadcast %broadcast_in_dim3A_31 : f32 to vector<128x128xf32>
      %swap3A_33 = arith.constant 0 : index
      %swap3A_34 = arith.constant 0 : index
      %swap3A_35 = vector.load %arg29[%swap3A_33, %swap3A_34] : memref<128x128xf32, #tpu.memory_space<vmem>>, vector<128x128xf32>
      tpu.vector_store %arg29[%swap3A_33, %swap3A_34], %broadcast_in_dim3A_32 {strides = array<i32>} : memref<128x128xf32, #tpu.memory_space<vmem>>, vector<128x128xf32>,
      %broadcast_in_dim3A_36 = arith.constant 0.000000e+00 : f32
      %broadcast_in_dim3A_37 = vector.broadcast %broadcast_in_dim3A_36 : f32 to vector<1x128xf32>
      %swap3A_38 = arith.constant 0 : index
      %swap3A_39 = arith.constant 0 : index
      %swap3A_40 = vector.load %arg30[%swap3A_38, %swap3A_39] : memref<1x128xf32, #tpu.memory_space<vmem>>, vector<1x128xf32>
      tpu.vector_store %arg30[%swap3A_38, %swap3A_39], %broadcast_in_dim3A_37 {strides = array<i32>} : memref<1x128xf32, #tpu.memory_space<vmem>>, vector<1x128xf32>,
      %broadcast_in_dim3A_41 = arith.constant 0.000000e+00 : f32
      %broadcast_in_dim3A_42 = vector.broadcast %broadcast_in_dim3A_41 : f32 to vector<1x128xf32>
      %swap3A_43 = arith.constant 0 : index
      %swap3A_44 = arith.constant 0 : index
      %swap3A_45 = vector.load %arg31[%swap3A_43, %swap3A_44] : memref<1x128xf32, #tpu.memory_space<vmem>>, vector<1x128xf32>
      tpu.vector_store %arg31[%swap3A_43, %swap3A_44], %broadcast_in_dim3A_42 {strides = array<i32>} : memref<1x128xf32, #tpu.memory_space<vmem>>, vector<1x128xf32>,
    } else {
    }
    %eq3A_5 = arith.constant 0 : i32
    %eq3A_6 = arith.cmpi eq, %arg0, %eq3A_5 : i32
    %convert_element_type3A_7 = arith.extui %eq3A_6 : i1 to i32
    %cond3A_8 = arith.constant 0 : i32
    %cond3A_9 = arith.cmpi ne, %convert_element_type3A_7, %cond3A_8 : i32
    scf.if %cond3A_9 {
      %get3A = arith.constant 0 : index
      %get3A_28 = arith.constant 0 : index
      %get3A_29 = vector.load %arg2[%get3A, %get3A_28] : memref<1000x128xf32, #tpu.memory_space<vmem>>, vector<1000x128xf32>
      %broadcast_in_dim3A = vector.shape_cast %get3A_29 : vector<1000x128xf32> to vector<1x1000x128xf32>
      %get3A_30 = arith.constant 0 : index
      %get3A_31 = arith.constant 0 : index
      %get3A_32 = vector.load %arg3[%get3A_30, %get3A_31] : memref<1x128xf32, #tpu.memory_space<vmem>>, vector<1x128xf32>
      %broadcast_in_dim3A_33 = vector.shape_cast %get3A_32 : vector<1x128xf32> to vector<1x1x128xf32>
      %mul3A_34 = vector.broadcast %broadcast_in_dim3A_33 : vector<1x1x128xf32> to vector<1x1000x128xf32>
      %mul3A_35 = arith.mulf %broadcast_in_dim3A, %mul3A_34 : vector<1x1000x128xf32>
      %get3A_36 = arith.constant 0 : index
      %get3A_37 = arith.constant 0 : index
      %get3A_38 = vector.load %arg4[%get3A_36, %get3A_37] : memref<8x128xf32, #tpu.memory_space<vmem>>, vector<8x128xf32>
      %broadcast_in_dim3A_39 = vector.shape_cast %get3A_38 : vector<8x128xf32> to vector<8x1x128xf32>
      %add3A = vector.broadcast %mul3A_35 : vector<1x1000x128xf32> to vector<8x1000x128xf32>
      %add3A_40 = vector.broadcast %broadcast_in_dim3A_39 : vector<8x1x128xf32> to vector<8x1000x128xf32>
      %add3A_41 = arith.addf %add3A, %add3A_40 : vector<8x1000x128xf32>
      %max3A = arith.constant 0.000000e+00 : f32
      %max3A_42 = vector.broadcast %max3A : f32 to vector<8x1000x128xf32>
      %max3A_43 = arith.maximumf %add3A_41, %max3A_42 : vector<8x1000x128xf32>
      %reshape3A = vector.shape_cast %max3A_43 : vector<8x1000x128xf32> to vector<8000x128xf32>
      %get3A_44 = arith.constant 0 : index
      %get3A_45 = arith.constant 0 : index
      %get3A_46 = vector.load %arg28[%get3A_44, %get3A_45] : memref<1x128xf32, #tpu.memory_space<vmem>>, vector<1x128xf32>
      %reduce_sum3A = arith.constant dense<0.000000e+00> : vector<128xf32>
      %reduce_sum3A_47 = vector.multi_reduction <add>, %reshape3A, %reduce_sum3A [0] : vector<8000x128xf32> to vector<128xf32>
      %broadcast_in_dim3A_48 = vector.shape_cast %reduce_sum3A_47 : vector<128xf32> to vector<1x128xf32>
      %add3A_49 = arith.addf %get3A_46, %broadcast_in_dim3A_48 : vector<1x128xf32>
      %swap3A = arith.constant 0 : index
      %swap3A_50 = arith.constant 0 : index
      %swap3A_51 = vector.load %arg28[%swap3A, %swap3A_50] : memref<1x128xf32, #tpu.memory_space<vmem>>, vector<1x128xf32>
      tpu.vector_store %arg28[%swap3A, %swap3A_50], %add3A_49 {strides = array<i32>} : memref<1x128xf32, #tpu.memory_space<vmem>>, vector<1x128xf32>,
      %get3A_52 = arith.constant 0 : index
      %get3A_53 = arith.constant 0 : index
      %get3A_54 = vector.load %arg29[%get3A_52, %get3A_53] : memref<128x128xf32, #tpu.memory_space<vmem>>, vector<128x128xf32>
      %dot_general3A = arith.constant dense<0.000000e+00> : vector<128x128xf32>
      %dot_general3A_55 = tpu.matmul %reshape3A, %reshape3A, %dot_general3A {dimension_numbers = #tpu.dot_dimension_numbers<[0], [0], [1], [1], [0, 1, 1, 1], [], []>, transpose_lhs_hint = false} : vector<8000x128xf32>, vector<8000x128xf32>, vector<128x128xf32> -> vector<128x128xf32>
      %add3A_56 = arith.addf %get3A_54, %dot_general3A_55 : vector<128x128xf32>
      %swap3A_57 = arith.constant 0 : index
      %swap3A_58 = arith.constant 0 : index
      %swap3A_59 = vector.load %arg29[%swap3A_57, %swap3A_58] : memref<128x128xf32, #tpu.memory_space<vmem>>, vector<128x128xf32>
      tpu.vector_store %arg29[%swap3A_57, %swap3A_58], %add3A_56 {strides = array<i32>} : memref<128x128xf32, #tpu.memory_space<vmem>>, vector<128x128xf32>,
    } else {
    }
    %eq3A_10 = arith.constant 1 : i32
    %eq3A_11 = arith.cmpi eq, %arg0, %eq3A_10 : i32
    %convert_element_type3A_12 = arith.extui %eq3A_11 : i1 to i32
    %cond3A_13 = arith.constant 0 : i32
    %cond3A_14 = arith.cmpi ne, %convert_element_type3A_12, %cond3A_13 : i32
    scf.if %cond3A_14 {
      %get3A = arith.constant 0 : index
      %get3A_28 = arith.constant 0 : index
      %get3A_29 = vector.load %arg2[%get3A, %get3A_28] : memref<1000x128xf32, #tpu.memory_space<vmem>>, vector<1000x128xf32>
      %broadcast_in_dim3A = vector.shape_cast %get3A_29 : vector<1000x128xf32> to vector<1x1000x128xf32>
      %get3A_30 = arith.constant 0 : index
      %get3A_31 = arith.constant 0 : index
      %get3A_32 = vector.load %arg3[%get3A_30, %get3A_31] : memref<1x128xf32, #tpu.memory_space<vmem>>, vector<1x128xf32>
      %broadcast_in_dim3A_33 = vector.shape_cast %get3A_32 : vector<1x128xf32> to vector<1x1x128xf32>
      %mul3A_34 = vector.broadcast %broadcast_in_dim3A_33 : vector<1x1x128xf32> to vector<1x1000x128xf32>
      %mul3A_35 = arith.mulf %broadcast_in_dim3A, %mul3A_34 : vector<1x1000x128xf32>
      %get3A_36 = arith.constant 0 : index
      %get3A_37 = arith.constant 0 : index
      %get3A_38 = vector.load %arg4[%get3A_36, %get3A_37] : memref<8x128xf32, #tpu.memory_space<vmem>>, vector<8x128xf32>
      %broadcast_in_dim3A_39 = vector.shape_cast %get3A_38 : vector<8x128xf32> to vector<8x1x128xf32>
      %add3A = vector.broadcast %mul3A_35 : vector<1x1000x128xf32> to vector<8x1000x128xf32>
      %add3A_40 = vector.broadcast %broadcast_in_dim3A_39 : vector<8x1x128xf32> to vector<8x1000x128xf32>
      %add3A_41 = arith.addf %add3A, %add3A_40 : vector<8x1000x128xf32>
      %max3A = arith.constant 0.000000e+00 : f32
      %max3A_42 = vector.broadcast %max3A : f32 to vector<8x1000x128xf32>
      %max3A_43 = arith.maximumf %add3A_41, %max3A_42 : vector<8x1000x128xf32>
      %reshape3A = vector.shape_cast %max3A_43 : vector<8x1000x128xf32> to vector<8000x128xf32>
      %get3A_44 = arith.constant 0 : index
      %get3A_45 = arith.constant 0 : index
      %get3A_46 = vector.load %arg5[%get3A_44, %get3A_45] : memref<256x128xf32, #tpu.memory_space<vmem>>, vector<256x128xf32>
      %dot_general3A = arith.constant dense<0.000000e+00> : vector<8000x256xf32>
      %dot_general3A_47 = tpu.matmul %reshape3A, %get3A_46, %dot_general3A {dimension_numbers = #tpu.dot_dimension_numbers<[1], [1], [0], [0], [0, 0, 1, 0], [], []>, transpose_lhs_hint = false} : vector<8000x128xf32>, vector<256x128xf32>, vector<8000x256xf32> -> vector<8000x256xf32>
      %get3A_48 = arith.constant 0 : index
      %get3A_49 = arith.constant 0 : index
      %get3A_50 = vector.load %arg6[%get3A_48, %get3A_49] : memref<1x256xf32, #tpu.memory_space<vmem>>, vector<1x256xf32>
      %add3A_51 = vector.broadcast %get3A_50 : vector<1x256xf32> to vector<8000x256xf32>
      %add3A_52 = arith.addf %dot_general3A_47, %add3A_51 : vector<8000x256xf32>
      %get3A_53 = arith.constant 0 : index
      %get3A_54 = arith.constant 0 : index
      %get3A_55 = vector.load %arg28[%get3A_53, %get3A_54] : memref<1x128xf32, #tpu.memory_space<vmem>>, vector<1x128xf32>
      %div3A = arith.constant 4.000000e+04 : f32
      %div3A_56 = vector.broadcast %div3A : f32 to vector<1x128xf32>
      %div3A_57 = arith.divf %get3A_55, %div3A_56 : vector<1x128xf32>
      %get3A_58 = arith.constant 0 : index
      %get3A_59 = arith.constant 0 : index
      %get3A_60 = vector.load %arg29[%get3A_58, %get3A_59] : memref<128x128xf32, #tpu.memory_space<vmem>>, vector<128x128xf32>
      %div3A_61 = arith.constant 4.000000e+04 : f32
      %div3A_62 = vector.broadcast %div3A_61 : f32 to vector<128x128xf32>
      %div3A_63 = arith.divf %get3A_60, %div3A_62 : vector<128x128xf32>
      %transpose3A = tpu.transpose %div3A_57, [1, 0] : vector<1x128xf32> -> vector<128x1xf32>
      %mul3A_64 = vector.broadcast %transpose3A : vector<128x1xf32> to vector<128x128xf32>
      %mul3A_65 = vector.broadcast %div3A_57 : vector<1x128xf32> to vector<128x128xf32>
      %mul3A_66 = arith.mulf %mul3A_64, %mul3A_65 : vector<128x128xf32>
      %sub3A = arith.subf %div3A_63, %mul3A_66 : vector<128x128xf32>
      %get3A_67 = arith.constant 0 : index
      %get3A_68 = arith.constant 0 : index
      %get3A_69 = vector.load %arg5[%get3A_67, %get3A_68] : memref<256x128xf32, #tpu.memory_space<vmem>>, vector<256x128xf32>
      %dot_general3A_70 = arith.constant dense<0.000000e+00> : vector<1x256xf32>
      %dot_general3A_71 = tpu.matmul %div3A_57, %get3A_69, %dot_general3A_70 {dimension_numbers = #tpu.dot_dimension_numbers<[1], [1], [0], [0], [0, 0, 1, 0], [], []>, transpose_lhs_hint = false} : vector<1x128xf32>, vector<256x128xf32>, vector<1x256xf32> -> vector<1x256xf32>
      %get3A_72 = arith.constant 0 : index
      %get3A_73 = arith.constant 0 : index
      %get3A_74 = vector.load %arg6[%get3A_72, %get3A_73] : memref<1x256xf32, #tpu.memory_space<vmem>>, vector<1x256xf32>
      %add3A_75 = arith.addf %dot_general3A_71, %get3A_74 : vector<1x256xf32>
      %get3A_76 = arith.constant 0 : index
      %get3A_77 = arith.constant 0 : index
      %get3A_78 = vector.load %arg5[%get3A_76, %get3A_77] : memref<256x128xf32, #tpu.memory_space<vmem>>, vector<256x128xf32>
      %dot_general3A_79 = arith.constant dense<0.000000e+00> : vector<256x128xf32>
      %dot_general3A_80 = tpu.matmul %get3A_78, %sub3A, %dot_general3A_79 {dimension_numbers = #tpu.dot_dimension_numbers<[1], [0], [0], [1], [0, 0, 1, 1], [], []>, transpose_lhs_hint = false} : vector<256x128xf32>, vector<128x128xf32>, vector<256x128xf32> -> vector<256x128xf32>
      %broadcast_in_dim3A_81 = arith.constant 1.000000e+00 : f32
      %broadcast_in_dim3A_82 = vector.broadcast %broadcast_in_dim3A_81 : f32 to vector<1x128xf32>
      %get3A_83 = arith.constant 0 : index
      %get3A_84 = arith.constant 0 : index
      %get3A_85 = vector.load %arg5[%get3A_83, %get3A_84] : memref<256x128xf32, #tpu.memory_space<vmem>>, vector<256x128xf32>
      %mul3A_86 = arith.mulf %dot_general3A_80, %get3A_85 : vector<256x128xf32>
      %dot_general3A_87 = arith.constant dense<0.000000e+00> : vector<1x256xf32>
      %dot_general3A_88 = tpu.matmul %broadcast_in_dim3A_82, %mul3A_86, %dot_general3A_87 {dimension_numbers = #tpu.dot_dimension_numbers<[1], [1], [0], [0], [0, 0, 1, 0], [], []>, transpose_lhs_hint = false} : vector<1x128xf32>, vector<256x128xf32>, vector<1x256xf32> -> vector<1x256xf32>
      %get3A_89 = arith.constant 0 : index
      %get3A_90 = arith.constant 0 : index
      %get3A_91 = vector.load %arg7[%get3A_89, %get3A_90] : memref<1x256xf32, #tpu.memory_space<vmem>>, vector<1x256xf32>
      %add3A_92 = arith.constant 9.99999974E-6 : f32
      %add3A_93 = vector.broadcast %add3A_92 : f32 to vector<1x256xf32>
      %add3A_94 = arith.addf %dot_general3A_88, %add3A_93 : vector<1x256xf32>
      %rsqrt3A = math.rsqrt %add3A_94 : vector<1x256xf32>
      %mul3A_95 = arith.mulf %get3A_91, %rsqrt3A : vector<1x256xf32>
      %sub3A_96 = vector.broadcast %add3A_75 : vector<1x256xf32> to vector<8000x256xf32>
      %sub3A_97 = arith.subf %add3A_52, %sub3A_96 : vector<8000x256xf32>
      %mul3A_98 = vector.broadcast %mul3A_95 : vector<1x256xf32> to vector<8000x256xf32>
      %mul3A_99 = arith.mulf %sub3A_97, %mul3A_98 : vector<8000x256xf32>
      %get3A_100 = arith.constant 0 : index
      %get3A_101 = arith.constant 0 : index
      %get3A_102 = vector.load %arg8[%get3A_100, %get3A_101] : memref<1x256xf32, #tpu.memory_space<vmem>>, vector<1x256xf32>
      %add3A_103 = vector.broadcast %get3A_102 : vector<1x256xf32> to vector<8000x256xf32>
      %add3A_104 = arith.addf %mul3A_99, %add3A_103 : vector<8000x256xf32>
      %max3A_105 = arith.constant 0.000000e+00 : f32
      %max3A_106 = vector.broadcast %max3A_105 : f32 to vector<8000x256xf32>
      %max3A_107 = arith.maximumf %add3A_104, %max3A_106 : vector<8000x256xf32>
      %get3A_108 = arith.constant 0 : index
      %get3A_109 = arith.constant 0 : index
      %get3A_110 = vector.load %arg9[%get3A_108, %get3A_109] : memref<128x256xf32, #tpu.memory_space<vmem>>, vector<128x256xf32>
      %dot_general3A_111 = arith.constant dense<0.000000e+00> : vector<8000x128xf32>
      %dot_general3A_112 = tpu.matmul %max3A_107, %get3A_110, %dot_general3A_111 {dimension_numbers = #tpu.dot_dimension_numbers<[1], [1], [0], [0], [0, 0, 1, 0], [], []>, transpose_lhs_hint = false} : vector<8000x256xf32>, vector<128x256xf32>, vector<8000x128xf32> -> vector<8000x128xf32>
      %get3A_113 = arith.constant 0 : index
      %get3A_114 = arith.constant 0 : index
      %get3A_115 = vector.load %arg10[%get3A_113, %get3A_114] : memref<1x128xf32, #tpu.memory_space<vmem>>, vector<1x128xf32>
      %add3A_116 = vector.broadcast %get3A_115 : vector<1x128xf32> to vector<8000x128xf32>
      %add3A_117 = arith.addf %dot_general3A_112, %add3A_116 : vector<8000x128xf32>
      %reshape3A_118 = vector.shape_cast %add3A_117 : vector<8000x128xf32> to vector<8x1000x128xf32>
      %swap3A = arith.constant 0 : index
      %swap3A_119 = arith.index_cast %multiple_of3A : i32 to index
      %swap3A_120 = arith.constant 0 : index
      %swap3A_121 = vector.load %arg32[%swap3A, %swap3A_119, %swap3A_120] : memref<8x5000x128xf32, #tpu.memory_space<vmem>>, vector<8x1000x128xf32>
      tpu.vector_store %arg32[%swap3A, %swap3A_119, %swap3A_120], %reshape3A_118 {strides = array<i32>} : memref<8x5000x128xf32, #tpu.memory_space<vmem>>, vector<8x1000x128xf32>,
      %get3A_122 = arith.constant 0 : index
      %get3A_123 = arith.constant 0 : index
      %get3A_124 = vector.load %arg30[%get3A_122, %get3A_123] : memref<1x128xf32, #tpu.memory_space<vmem>>, vector<1x128xf32>
      %reduce_sum3A = arith.constant dense<0.000000e+00> : vector<128xf32>
      %reduce_sum3A_125 = vector.multi_reduction <add>, %add3A_117, %reduce_sum3A [0] : vector<8000x128xf32> to vector<128xf32>
      %broadcast_in_dim3A_126 = vector.shape_cast %reduce_sum3A_125 : vector<128xf32> to vector<1x128xf32>
      %add3A_127 = arith.addf %get3A_124, %broadcast_in_dim3A_126 : vector<1x128xf32>
      %swap3A_128 = arith.constant 0 : index
      %swap3A_129 = arith.constant 0 : index
      %swap3A_130 = vector.load %arg30[%swap3A_128, %swap3A_129] : memref<1x128xf32, #tpu.memory_space<vmem>>, vector<1x128xf32>
      tpu.vector_store %arg30[%swap3A_128, %swap3A_129], %add3A_127 {strides = array<i32>} : memref<1x128xf32, #tpu.memory_space<vmem>>, vector<1x128xf32>,
      %get3A_131 = arith.constant 0 : index
      %get3A_132 = arith.constant 0 : index
      %get3A_133 = vector.load %arg31[%get3A_131, %get3A_132] : memref<1x128xf32, #tpu.memory_space<vmem>>, vector<1x128xf32>
      %mul3A_134 = arith.mulf %add3A_117, %add3A_117 : vector<8000x128xf32>
      %reduce_sum3A_135 = arith.constant dense<0.000000e+00> : vector<128xf32>
      %reduce_sum3A_136 = vector.multi_reduction <add>, %mul3A_134, %reduce_sum3A_135 [0] : vector<8000x128xf32> to vector<128xf32>
      %broadcast_in_dim3A_137 = vector.shape_cast %reduce_sum3A_136 : vector<128xf32> to vector<1x128xf32>
      %add3A_138 = arith.addf %get3A_133, %broadcast_in_dim3A_137 : vector<1x128xf32>
      %swap3A_139 = arith.constant 0 : index
      %swap3A_140 = arith.constant 0 : index
      %swap3A_141 = vector.load %arg31[%swap3A_139, %swap3A_140] : memref<1x128xf32, #tpu.memory_space<vmem>>, vector<1x128xf32>
      tpu.vector_store %arg31[%swap3A_139, %swap3A_140], %add3A_138 {strides = array<i32>} : memref<1x128xf32, #tpu.memory_space<vmem>>, vector<1x128xf32>,
    } else {
    }
    %eq3A_15 = arith.constant 2 : i32
    %eq3A_16 = arith.cmpi eq, %arg0, %eq3A_15 : i32
    %convert_element_type3A_17 = arith.extui %eq3A_16 : i1 to i32
    %cond3A_18 = arith.constant 0 : i32
    %cond3A_19 = arith.cmpi ne, %convert_element_type3A_17, %cond3A_18 : i32
    scf.if %cond3A_19 {
      %get3A = arith.constant 0 : index
      %get3A_28 = arith.constant 0 : index
      %get3A_29 = vector.load %arg30[%get3A, %get3A_28] : memref<1x128xf32, #tpu.memory_space<vmem>>, vector<1x128xf32>
      %div3A = arith.constant 4.000000e+04 : f32
      %div3A_30 = vector.broadcast %div3A : f32 to vector<1x128xf32>
      %div3A_31 = arith.divf %get3A_29, %div3A_30 : vector<1x128xf32>
      %get3A_32 = arith.constant 0 : index
      %get3A_33 = arith.constant 0 : index
      %get3A_34 = vector.load %arg31[%get3A_32, %get3A_33] : memref<1x128xf32, #tpu.memory_space<vmem>>, vector<1x128xf32>
      %div3A_35 = arith.constant 4.000000e+04 : f32
      %div3A_36 = vector.broadcast %div3A_35 : f32 to vector<1x128xf32>
      %div3A_37 = arith.divf %get3A_34, %div3A_36 : vector<1x128xf32>
      %mul3A_38 = arith.mulf %div3A_31, %div3A_31 : vector<1x128xf32>
      %sub3A = arith.subf %div3A_37, %mul3A_38 : vector<1x128xf32>
      %get3A_39 = arith.constant 0 : index
      %get3A_40 = arith.constant 0 : index
      %get3A_41 = vector.load %arg11[%get3A_39, %get3A_40] : memref<1x128xf32, #tpu.memory_space<vmem>>, vector<1x128xf32>
      %add3A = arith.constant 9.99999974E-6 : f32
      %add3A_42 = vector.broadcast %add3A : f32 to vector<1x128xf32>
      %add3A_43 = arith.addf %sub3A, %add3A_42 : vector<1x128xf32>
      %rsqrt3A = math.rsqrt %add3A_43 : vector<1x128xf32>
      %mul3A_44 = arith.mulf %get3A_41, %rsqrt3A : vector<1x128xf32>
      %get3A_45 = arith.constant 0 : index
      %get3A_46 = arith.constant 0 : index
      %get3A_47 = vector.load %arg13[%get3A_45, %get3A_46] : memref<1000x128xf32, #tpu.memory_space<vmem>>, vector<1000x128xf32>
      %mul3A_48 = vector.broadcast %mul3A_44 : vector<1x128xf32> to vector<1000x128xf32>
      %mul3A_49 = arith.mulf %get3A_47, %mul3A_48 : vector<1000x128xf32>
      %get3A_50 = arith.constant 0 : index
      %get3A_51 = arith.index_cast %multiple_of3A : i32 to index
      %get3A_52 = arith.constant 0 : index
      %get3A_53 = vector.load %arg32[%get3A_50, %get3A_51, %get3A_52] : memref<8x5000x128xf32, #tpu.memory_space<vmem>>, vector<8x1000x128xf32>
      %broadcast_in_dim3A = vector.shape_cast %mul3A_49 : vector<1000x128xf32> to vector<1x1000x128xf32>
      %mul3A_54 = vector.broadcast %broadcast_in_dim3A : vector<1x1000x128xf32> to vector<8x1000x128xf32>
      %mul3A_55 = arith.mulf %get3A_53, %mul3A_54 : vector<8x1000x128xf32>
      %reduce_sum3A = arith.constant dense<0.000000e+00> : vector<8x1000xf32>
      %reduce_sum3A_56 = vector.multi_reduction <add>, %mul3A_55, %reduce_sum3A [2] : vector<8x1000x128xf32> to vector<8x1000xf32>
      %get3A_57 = arith.constant 0 : index
      %get3A_58 = arith.constant 0 : index
      %get3A_59 = vector.load %arg12[%get3A_57, %get3A_58] : memref<1x128xf32, #tpu.memory_space<vmem>>, vector<1x128xf32>
      %mul3A_60 = arith.mulf %div3A_31, %mul3A_44 : vector<1x128xf32>
      %sub3A_61 = arith.subf %get3A_59, %mul3A_60 : vector<1x128xf32>
      %mul3A_62 = vector.broadcast %sub3A_61 : vector<1x128xf32> to vector<1000x128xf32>
      %mul3A_63 = arith.mulf %get3A_47, %mul3A_62 : vector<1000x128xf32>
      %reduce_sum3A_64 = arith.constant dense<0.000000e+00> : vector<1000xf32>
      %reduce_sum3A_65 = vector.multi_reduction <add>, %mul3A_63, %reduce_sum3A_64 [1] : vector<1000x128xf32> to vector<1000xf32>
      %broadcast_in_dim3A_66 = vector.shape_cast %reduce_sum3A_65 : vector<1000xf32> to vector<1000x1xf32>
      %transpose3A = tpu.transpose %reduce_sum3A_56, [1, 0] : vector<8x1000xf32> -> vector<1000x8xf32>
      %add3A_67 = vector.broadcast %broadcast_in_dim3A_66 : vector<1000x1xf32> to vector<1000x8xf32>
      %add3A_68 = arith.addf %transpose3A, %add3A_67 : vector<1000x8xf32>
      %get3A_69 = arith.constant 0 : index
      %get3A_70 = arith.constant 0 : index
      %get3A_71 = vector.load %arg14[%get3A_69, %get3A_70] : memref<1000x1xf32, #tpu.memory_space<vmem>>, vector<1000x1xf32>
      %add3A_72 = vector.broadcast %get3A_71 : vector<1000x1xf32> to vector<1000x8xf32>
      %add3A_73 = arith.addf %add3A_68, %add3A_72 : vector<1000x8xf32>
      %swap3A = arith.index_cast %multiple_of3A : i32 to index
      %swap3A_74 = arith.constant 0 : index
      %swap3A_75 = vector.load %arg33[%swap3A, %swap3A_74] : memref<5000x8xf32, #tpu.memory_space<vmem>>, vector<1000x8xf32>
      tpu.vector_store %arg33[%swap3A, %swap3A_74], %add3A_73 {strides = array<i32>} : memref<5000x8xf32, #tpu.memory_space<vmem>>, vector<1000x8xf32>,
    } else {
    }
    %eq3A_20 = arith.constant 3 : i32
    %eq3A_21 = arith.cmpi eq, %arg0, %eq3A_20 : i32
    %eq3A_22 = arith.constant 0 : i32
    %eq3A_23 = arith.cmpi eq, %arg1, %eq3A_22 : i32
    %and3A_24 = arith.andi %eq3A_21, %eq3A_23 : i1
    %convert_element_type3A_25 = arith.extui %and3A_24 : i1 to i32
    %cond3A_26 = arith.constant 0 : i32
    %cond3A_27 = arith.cmpi ne, %convert_element_type3A_25, %cond3A_26 : i32
    scf.if %cond3A_27 {
      %get3A = arith.constant 0 : index
      %get3A_28 = arith.constant 0 : index
      %get3A_29 = vector.load %arg33[%get3A, %get3A_28] : memref<5000x8xf32, #tpu.memory_space<vmem>>, vector<5000x8xf32>
      %transpose3A = tpu.transpose %get3A_29, [1, 0] : vector<5000x8xf32> -> vector<8x5000xf32>
      %get3A_30 = arith.constant 0 : index
      %get3A_31 = arith.constant 0 : index
      %get3A_32 = vector.load %arg16[%get3A_30, %get3A_31] : memref<128x5000xf32, #tpu.memory_space<vmem>>, vector<128x5000xf32>
      %dot_general3A = arith.constant dense<0.000000e+00> : vector<8x128xf32>
      %dot_general3A_33 = tpu.matmul %transpose3A, %get3A_32, %dot_general3A {dimension_numbers = #tpu.dot_dimension_numbers<[1], [1], [0], [0], [0, 0, 1, 0], [], []>, precision = #tpu.contract_precision<fp32>, transpose_lhs_hint = false} : vector<8x5000xf32>, vector<128x5000xf32>, vector<8x128xf32> -> vector<8x128xf32>
      %get3A_34 = arith.constant 0 : index
      %get3A_35 = arith.constant 0 : index
      %get3A_36 = vector.load %arg17[%get3A_34, %get3A_35] : memref<1x128xf32, #tpu.memory_space<vmem>>, vector<1x128xf32>
      %add3A = vector.broadcast %get3A_36 : vector<1x128xf32> to vector<8x128xf32>
      %add3A_37 = arith.addf %dot_general3A_33, %add3A : vector<8x128xf32>
      %get3A_38 = arith.constant 0 : index
      %get3A_39 = arith.constant 0 : index
      %get3A_40 = vector.load %arg18[%get3A_38, %get3A_39] : memref<1x128xf32, #tpu.memory_space<vmem>>, vector<1x128xf32>
      %get3A_41 = arith.constant 0 : index
      %get3A_42 = arith.constant 0 : index
      %get3A_43 = vector.load %arg19[%get3A_41, %get3A_42] : memref<1x128xf32, #tpu.memory_space<vmem>>, vector<1x128xf32>
      %reduce_sum3A = arith.constant dense<0.000000e+00> : vector<128xf32>
      %reduce_sum3A_44 = vector.multi_reduction <add>, %add3A_37, %reduce_sum3A [0] : vector<8x128xf32> to vector<128xf32>
      %broadcast_in_dim3A = vector.shape_cast %reduce_sum3A_44 : vector<128xf32> to vector<1x128xf32>
      %div3A = arith.constant 8.000000e+00 : f32
      %div3A_45 = vector.broadcast %div3A : f32 to vector<1x128xf32>
      %div3A_46 = arith.divf %broadcast_in_dim3A, %div3A_45 : vector<1x128xf32>
      %sub3A = vector.broadcast %div3A_46 : vector<1x128xf32> to vector<8x128xf32>
      %sub3A_47 = arith.subf %add3A_37, %sub3A : vector<8x128xf32>
      %mul3A_48 = arith.mulf %sub3A_47, %sub3A_47 : vector<8x128xf32>
      %reduce_sum3A_49 = arith.constant dense<0.000000e+00> : vector<128xf32>
      %reduce_sum3A_50 = vector.multi_reduction <add>, %mul3A_48, %reduce_sum3A_49 [0] : vector<8x128xf32> to vector<128xf32>
      %broadcast_in_dim3A_51 = vector.shape_cast %reduce_sum3A_50 : vector<128xf32> to vector<1x128xf32>
      %div3A_52 = arith.constant 8.000000e+00 : f32
      %div3A_53 = vector.broadcast %div3A_52 : f32 to vector<1x128xf32>
      %div3A_54 = arith.divf %broadcast_in_dim3A_51, %div3A_53 : vector<1x128xf32>
      %add3A_55 = arith.constant 9.99999974E-6 : f32
      %add3A_56 = vector.broadcast %add3A_55 : f32 to vector<1x128xf32>
      %add3A_57 = arith.addf %div3A_54, %add3A_56 : vector<1x128xf32>
      %rsqrt3A = math.rsqrt %add3A_57 : vector<1x128xf32>
      %mul3A_58 = vector.broadcast %rsqrt3A : vector<1x128xf32> to vector<8x128xf32>
      %mul3A_59 = arith.mulf %sub3A_47, %mul3A_58 : vector<8x128xf32>
      %mul3A_60 = vector.broadcast %get3A_40 : vector<1x128xf32> to vector<8x128xf32>
      %mul3A_61 = arith.mulf %mul3A_59, %mul3A_60 : vector<8x128xf32>
      %add3A_62 = vector.broadcast %get3A_43 : vector<1x128xf32> to vector<8x128xf32>
      %add3A_63 = arith.addf %mul3A_61, %add3A_62 : vector<8x128xf32>
      %max3A = arith.constant 0.000000e+00 : f32
      %max3A_64 = vector.broadcast %max3A : f32 to vector<8x128xf32>
      %max3A_65 = arith.maximumf %add3A_63, %max3A_64 : vector<8x128xf32>
      %get3A_66 = arith.constant 0 : index
      %get3A_67 = arith.constant 0 : index
      %get3A_68 = vector.load %arg20[%get3A_66, %get3A_67] : memref<128x128xf32, #tpu.memory_space<vmem>>, vector<128x128xf32>
      %dot_general3A_69 = arith.constant dense<0.000000e+00> : vector<8x128xf32>
      %dot_general3A_70 = tpu.matmul %max3A_65, %get3A_68, %dot_general3A_69 {dimension_numbers = #tpu.dot_dimension_numbers<[1], [1], [0], [0], [0, 0, 1, 0], [], []>, precision = #tpu.contract_precision<fp32>, transpose_lhs_hint = false} : vector<8x128xf32>, vector<128x128xf32>, vector<8x128xf32> -> vector<8x128xf32>
      %get3A_71 = arith.constant 0 : index
      %get3A_72 = arith.constant 0 : index
      %get3A_73 = vector.load %arg21[%get3A_71, %get3A_72] : memref<1x128xf32, #tpu.memory_space<vmem>>, vector<1x128xf32>
      %add3A_74 = vector.broadcast %get3A_73 : vector<1x128xf32> to vector<8x128xf32>
      %add3A_75 = arith.addf %dot_general3A_70, %add3A_74 : vector<8x128xf32>
      %get3A_76 = arith.constant 0 : index
      %get3A_77 = arith.constant 0 : index
      %get3A_78 = vector.load %arg22[%get3A_76, %get3A_77] : memref<1x128xf32, #tpu.memory_space<vmem>>, vector<1x128xf32>
      %get3A_79 = arith.constant 0 : index
      %get3A_80 = arith.constant 0 : index
      %get3A_81 = vector.load %arg23[%get3A_79, %get3A_80] : memref<1x128xf32, #tpu.memory_space<vmem>>, vector<1x128xf32>
      %reduce_sum3A_82 = arith.constant dense<0.000000e+00> : vector<128xf32>
      %reduce_sum3A_83 = vector.multi_reduction <add>, %add3A_75, %reduce_sum3A_82 [0] : vector<8x128xf32> to vector<128xf32>
      %broadcast_in_dim3A_84 = vector.shape_cast %reduce_sum3A_83 : vector<128xf32> to vector<1x128xf32>
      %div3A_85 = arith.constant 8.000000e+00 : f32
      %div3A_86 = vector.broadcast %div3A_85 : f32 to vector<1x128xf32>
      %div3A_87 = arith.divf %broadcast_in_dim3A_84, %div3A_86 : vector<1x128xf32>
      %sub3A_88 = vector.broadcast %div3A_87 : vector<1x128xf32> to vector<8x128xf32>
      %sub3A_89 = arith.subf %add3A_75, %sub3A_88 : vector<8x128xf32>
      %mul3A_90 = arith.mulf %sub3A_89, %sub3A_89 : vector<8x128xf32>
      %reduce_sum3A_91 = arith.constant dense<0.000000e+00> : vector<128xf32>
      %reduce_sum3A_92 = vector.multi_reduction <add>, %mul3A_90, %reduce_sum3A_91 [0] : vector<8x128xf32> to vector<128xf32>
      %broadcast_in_dim3A_93 = vector.shape_cast %reduce_sum3A_92 : vector<128xf32> to vector<1x128xf32>
      %div3A_94 = arith.constant 8.000000e+00 : f32
      %div3A_95 = vector.broadcast %div3A_94 : f32 to vector<1x128xf32>
      %div3A_96 = arith.divf %broadcast_in_dim3A_93, %div3A_95 : vector<1x128xf32>
      %add3A_97 = arith.constant 9.99999974E-6 : f32
      %add3A_98 = vector.broadcast %add3A_97 : f32 to vector<1x128xf32>
      %add3A_99 = arith.addf %div3A_96, %add3A_98 : vector<1x128xf32>
      %rsqrt3A_100 = math.rsqrt %add3A_99 : vector<1x128xf32>
      %mul3A_101 = vector.broadcast %rsqrt3A_100 : vector<1x128xf32> to vector<8x128xf32>
      %mul3A_102 = arith.mulf %sub3A_89, %mul3A_101 : vector<8x128xf32>
      %mul3A_103 = vector.broadcast %get3A_78 : vector<1x128xf32> to vector<8x128xf32>
      %mul3A_104 = arith.mulf %mul3A_102, %mul3A_103 : vector<8x128xf32>
      %add3A_105 = vector.broadcast %get3A_81 : vector<1x128xf32> to vector<8x128xf32>
      %add3A_106 = arith.addf %mul3A_104, %add3A_105 : vector<8x128xf32>
      %get3A_107 = arith.constant 0 : index
      %get3A_108 = arith.constant 0 : index
      %get3A_109 = vector.load %arg24[%get3A_107, %get3A_108] : memref<1x5000xf32, #tpu.memory_space<vmem>>, vector<1x5000xf32>
      %mul3A_110 = vector.broadcast %get3A_109 : vector<1x5000xf32> to vector<8x5000xf32>
      %mul3A_111 = arith.mulf %transpose3A, %mul3A_110 : vector<8x5000xf32>
      %get3A_112 = arith.constant 0 : index
      %get3A_113 = arith.constant 0 : index
      %get3A_114 = vector.load %arg25[%get3A_112, %get3A_113] : memref<5000x128xf32, #tpu.memory_space<vmem>>, vector<5000x128xf32>
      %dot_general3A_115 = arith.constant dense<0.000000e+00> : vector<8x5000xf32>
      %dot_general3A_116 = tpu.matmul %add3A_106, %get3A_114, %dot_general3A_115 {dimension_numbers = #tpu.dot_dimension_numbers<[1], [1], [0], [0], [0, 0, 1, 0], [], []>, precision = #tpu.contract_precision<fp32>, transpose_lhs_hint = false} : vector<8x128xf32>, vector<5000x128xf32>, vector<8x5000xf32> -> vector<8x5000xf32>
      %add3A_117 = arith.addf %mul3A_111, %dot_general3A_116 : vector<8x5000xf32>
      %get3A_118 = arith.constant 0 : index
      %get3A_119 = arith.constant 0 : index
      %get3A_120 = vector.load %arg26[%get3A_118, %get3A_119] : memref<1x5000xf32, #tpu.memory_space<vmem>>, vector<1x5000xf32>
      %add3A_121 = vector.broadcast %get3A_120 : vector<1x5000xf32> to vector<8x5000xf32>
      %add3A_122 = arith.addf %add3A_117, %add3A_121 : vector<8x5000xf32>
      %get3A_123 = arith.constant 0 : index
      %get3A_124 = arith.constant 0 : index
      %get3A_125 = vector.load %arg15[%get3A_123, %get3A_124] : memref<8x5000xf32, #tpu.memory_space<vmem>>, vector<8x5000xf32>
      %add3A_126 = arith.addf %add3A_122, %get3A_125 : vector<8x5000xf32>
      %swap3A = arith.constant 0 : index
      %swap3A_127 = arith.constant 0 : index
      %swap3A_128 = vector.load %arg27[%swap3A, %swap3A_127] : memref<8x5000xf32, #tpu.memory_space<vmem>>, vector<8x5000xf32>
      tpu.vector_store %arg27[%swap3A, %swap3A_127], %add3A_126 {strides = array<i32>} : memref<8x5000xf32, #tpu.memory_space<vmem>>, vector<8x5000xf32>,
    } else {
    }
    return
  }
  func.func @transform_0(%arg0: i32, %arg1: i32) -> (i32, i32) {
    %c0_i32 = arith.constant 0 : i32
    %c0_i32_0 = arith.constant 0 : i32
    return %arg1, %c0_i32 : i32, i32
  }
  func.func @transform_1(%arg0: i32, %arg1: i32) -> (i32, i32) {
    %c0_i32 = arith.constant 0 : i32
    %c0_i32_0 = arith.constant 0 : i32
    %c0_i32_1 = arith.constant 0 : i32
    return %c0_i32, %c0_i32_0 : i32, i32
  }
  func.func @transform_2(%arg0: i32, %arg1: i32) -> (i32, i32) {
    %c0_i32 = arith.constant 0 : i32
    %c0_i32_0 = arith.constant 0 : i32
    %c0_i32_1 = arith.constant 0 : i32
    return %c0_i32, %c0_i32_0 : i32, i32
  }
  func.func @transform_3(%arg0: i32, %arg1: i32) -> (i32, i32) {
    %c0_i32 = arith.constant 0 : i32
    %c0_i32_0 = arith.constant 0 : i32
    %c0_i32_1 = arith.constant 0 : i32
    return %c0_i32, %c0_i32_0 : i32, i32
  }
  func.func @transform_4(%arg0: i32, %arg1: i32) -> (i32, i32) {
    %c0_i32 = arith.constant 0 : i32
    %c0_i32_0 = arith.constant 0 : i32
    %c0_i32_1 = arith.constant 0 : i32
    return %c0_i32, %c0_i32_0 : i32, i32
  }
  func.func @transform_5(%arg0: i32, %arg1: i32) -> (i32, i32) {
    %c0_i32 = arith.constant 0 : i32
    %c0_i32_0 = arith.constant 0 : i32
    %c0_i32_1 = arith.constant 0 : i32
    return %c0_i32, %c0_i32_0 : i32, i32
  }
  func.func @transform_6(%arg0: i32, %arg1: i32) -> (i32, i32) {
    %c0_i32 = arith.constant 0 : i32
    %c0_i32_0 = arith.constant 0 : i32
    %c0_i32_1 = arith.constant 0 : i32
    return %c0_i32, %c0_i32_0 : i32, i32
  }
  func.func @transform_7(%arg0: i32, %arg1: i32) -> (i32, i32) {
    %c0_i32 = arith.constant 0 : i32
    %c0_i32_0 = arith.constant 0 : i32
    %c0_i32_1 = arith.constant 0 : i32
    return %c0_i32, %c0_i32_0 : i32, i32
  }
  func.func @transform_8(%arg0: i32, %arg1: i32) -> (i32, i32) {
    %c0_i32 = arith.constant 0 : i32
    %c0_i32_0 = arith.constant 0 : i32
    %c0_i32_1 = arith.constant 0 : i32
    return %c0_i32, %c0_i32_0 : i32, i32
  }
  func.func @transform_9(%arg0: i32, %arg1: i32) -> (i32, i32) {
    %c0_i32 = arith.constant 0 : i32
    %c0_i32_0 = arith.constant 0 : i32
    %c0_i32_1 = arith.constant 0 : i32
    return %c0_i32, %c0_i32_0 : i32, i32
  }
  func.func @transform_10(%arg0: i32, %arg1: i32) -> (i32, i32) {
    %c0_i32 = arith.constant 0 : i32
    %c0_i32_0 = arith.constant 0 : i32
    %c0_i32_1 = arith.constant 0 : i32
    return %c0_i32, %c0_i32_0 : i32, i32
  }
  func.func @transform_11(%arg0: i32, %arg1: i32) -> (i32, i32) {
    %c0_i32 = arith.constant 0 : i32
    %c0_i32_0 = arith.constant 0 : i32
    return %arg1, %c0_i32 : i32, i32
  }
  func.func @transform_12(%arg0: i32, %arg1: i32) -> (i32, i32) {
    %c0_i32 = arith.constant 0 : i32
    %c0_i32_0 = arith.constant 0 : i32
    return %arg1, %c0_i32 : i32, i32
  }
  func.func @transform_13(%arg0: i32, %arg1: i32) -> (i32, i32) {
    %c0_i32 = arith.constant 0 : i32
    %c0_i32_0 = arith.constant 0 : i32
    %c0_i32_1 = arith.constant 0 : i32
    return %c0_i32, %c0_i32_0 : i32, i32
  }
  func.func @transform_14(%arg0: i32, %arg1: i32) -> (i32, i32) {
    %c0_i32 = arith.constant 0 : i32
    %c0_i32_0 = arith.constant 0 : i32
    %c0_i32_1 = arith.constant 0 : i32
    return %c0_i32, %c0_i32_0 : i32, i32
  }
  func.func @transform_15(%arg0: i32, %arg1: i32) -> (i32, i32) {
    %c0_i32 = arith.constant 0 : i32
    %c0_i32_0 = arith.constant 0 : i32
    %c0_i32_1 = arith.constant 0 : i32
    return %c0_i32, %c0_i32_0 : i32, i32
  }
  func.func @transform_16(%arg0: i32, %arg1: i32) -> (i32, i32) {
    %c0_i32 = arith.constant 0 : i32
    %c0_i32_0 = arith.constant 0 : i32
    %c0_i32_1 = arith.constant 0 : i32
    return %c0_i32, %c0_i32_0 : i32, i32
  }
  func.func @transform_17(%arg0: i32, %arg1: i32) -> (i32, i32) {
    %c0_i32 = arith.constant 0 : i32
    %c0_i32_0 = arith.constant 0 : i32
    %c0_i32_1 = arith.constant 0 : i32
    return %c0_i32, %c0_i32_0 : i32, i32
  }
  func.func @transform_18(%arg0: i32, %arg1: i32) -> (i32, i32) {
    %c0_i32 = arith.constant 0 : i32
    %c0_i32_0 = arith.constant 0 : i32
    %c0_i32_1 = arith.constant 0 : i32
    return %c0_i32, %c0_i32_0 : i32, i32
  }
  func.func @transform_19(%arg0: i32, %arg1: i32) -> (i32, i32) {
    %c0_i32 = arith.constant 0 : i32
    %c0_i32_0 = arith.constant 0 : i32
    %c0_i32_1 = arith.constant 0 : i32
    return %c0_i32, %c0_i32_0 : i32, i32
  }
  func.func @transform_20(%arg0: i32, %arg1: i32) -> (i32, i32) {
    %c0_i32 = arith.constant 0 : i32
    %c0_i32_0 = arith.constant 0 : i32
    %c0_i32_1 = arith.constant 0 : i32
    return %c0_i32, %c0_i32_0 : i32, i32
  }
  func.func @transform_21(%arg0: i32, %arg1: i32) -> (i32, i32) {
    %c0_i32 = arith.constant 0 : i32
    %c0_i32_0 = arith.constant 0 : i32
    %c0_i32_1 = arith.constant 0 : i32
    return %c0_i32, %c0_i32_0 : i32, i32
  }
  func.func @transform_22(%arg0: i32, %arg1: i32) -> (i32, i32) {
    %c0_i32 = arith.constant 0 : i32
    %c0_i32_0 = arith.constant 0 : i32
    %c0_i32_1 = arith.constant 0 : i32
    return %c0_i32, %c0_i32_0 : i32, i32
  }
  func.func @transform_23(%arg0: i32, %arg1: i32) -> (i32, i32) {
    %c0_i32 = arith.constant 0 : i32
    %c0_i32_0 = arith.constant 0 : i32
    %c0_i32_1 = arith.constant 0 : i32
    return %c0_i32, %c0_i32_0 : i32, i32
  }
  func.func @transform_24(%arg0: i32, %arg1: i32) -> (i32, i32) {
    %c0_i32 = arith.constant 0 : i32
    %c0_i32_0 = arith.constant 0 : i32
    %c0_i32_1 = arith.constant 0 : i32
    return %c0_i32, %c0_i32_0 : i32, i32
  }
  func.func @transform_25(%arg0: i32, %arg1: i32) -> (i32, i32) {
    %c0_i32 = arith.constant 0 : i32
    %c0_i32_0 = arith.constant 0 : i32
    %c0_i32_1 = arith.constant 0 : i32
    return %c0_i32, %c0_i32_0 : i32, i32
  }
}

</mosaic_0001>

<sc_bundles>
// kernel: kernel.5.cloned.1.call-start
scs
__scs_entry_jumppad:
0x0: {  	(pc) =	sbr.rel $0x88, $3  }
0x1: {  	(tag) =	ssettag $0x0;
	lr =	simm.s32 $0x1  }
0x2: {  	[smem:$0x3F79] =	sst lr;
	_ =	strace $0xD0000000  }
0x3: {  	_ = 	snop  }
0x4: {  	_ = 	snop  }
0x5: {  	_ = 	snop  }
0x6: {  	_ = 	snop  }
0x7: {  	_ = 	snop  }
__scs_overlays_trampoline_lowered:
0x8: {  	[smem:$0x3F88] =	sst s0  }
0x9: {  	[smem:$0x3F89] =	sst s1  }
0xa: {  	[smem:$0x3F8A] =	sst s2  }
0xb: {  	[smem:$0x3F8B] =	sst s3  }
0xc: {  	[smem:$0x3F8C] =	sst s4  }
0xd: {  	[smem:$0x3F8D] =	sst s5  }
0xe: {  	[smem:$0x3F8E] =	sst s6  }
0xf: {  	[smem:$0x3F8F] =	sst s7  }
0x10: {  	[smem:$0x3F90] =	sst s8  }
0x11: {  	[smem:$0x3F91] =	sst s9;
	s0 =	simm.s32 @!p0 $0x0  }
0x12: {  	s1 =	sld [smem:$0x3F77];
	s0 =	simm.s32 @p0 $0x1  }
0x13: {  	[smem:$0x3F92] =	sst s0;
	s0 =	simm.s32 @!p1 $0x0  }
0x14: {  	s2 =	sld [smem:$0x3F76];
	s0 =	simm.s32 @p1 $0x1  }
0x15: {  	[smem:$0x3F93] =	sst s0;
	s0 =	simm.s32 @!p2 $0x0  }
0x16: {  	s3 =	sld [smem:$0x3FDB];
	s0 =	simm.s32 @p2 $0x1  }
0x17: {  	s4 =	simm.s32 $0x1BF5;
	[smem:$0x3F95] =	sst s0  }
0x18: {  	s0 =	sld [smem:$0x3F78];
	_ =	swait.ge [sflag:s4], $0x0  }
0x19: {  	s7 =	sld [smem:$0x3F79]  }
0x1a: {  	s8 =	sadd.s32 $0xFFFFE003, lr  }
0x1b: {  	s9 =	sadd.s32 $0xFFFFFEF7, lr;
	s5 =	simm.s32 $0xFFFFFFFF;
	p2 =	slt.u32 s8, $0xFFFFF086  }
0x1c: {  	p1 =	slt.u32 s9, $0xF7A;
	s5 =	simm.s32 @!p2 $0x0  }
0x1d: {  	s5 =	simm.s32 @p1 $0x1;
	p0 =	seq.s32 s7, s2  }
0x1e: {  	s7 =	smul.u32 @!p0 $0xF7A, s2;
	p2 =	seq.s32 @!p0 s5, $0x0  }
0x1f: {  	s9 =	smul.u32 $0xF7A, s1;
	s8 =	simm.s32 @!p0 $0x1BF5;
	p2 =	por !p2, p0  }
0x20: {  	[sflag:s8] =	ssyncset.s32 @!p0 $0xFFFFF086;
	s6 =	sadd.s32 @!p0 s3, s7;
	s7 =	simm.s32 @!p0 $0x108  }
0x21: {  	s3 =	sadd.s32 s3, s9;
	s6 =	sadd.s32 @!p0 $0x88, s6;
	s7 =	simm.s32 @p2 $0x1082  }
0x22: {  	[simem:s7], [sflag:s8] =	dma.local @!p0 [hbm:s6], $0xF7A  }
0x23: {  	s9 =	sor.u32 $0xD0000000, s2;
	s6 =	simm.s32 $0x108;
	_ =	swait.ge @!p0 [sflag:s8], $0x0  }
0x24: {  	s3 =	sadd.s32 $0x88, s3;
	s6 =	simm.s32 @!p1 $0x1082;
	[sflag:s4] =	ssyncset.s32 $0xFFFFF086  }
0x25: {  	[simem:s6], [sflag:s4] =	dma.local [hbm:s3], $0xF7A  }
0x26: {  	[smem:$0x3F79] =	sst s1;
	(tag) =	ssettag s2;
	_ =	strace s9  }
0x27: {  	s1 =	sld [smem:$0x3F89]  }
0x28: {  	s2 =	sld [smem:$0x3F8A]  }
0x29: {  	s4 =	sld [smem:$0x3F8C]  }
0x2a: {  	p0 =	seq.s32 s5, $0x0;
	s5 =	sld [smem:$0x3F8D]  }
0x2b: {  	s6 =	sld [smem:$0x3F8E]  }
0x2c: {  	s7 =	sld [smem:$0x3F8F]  }
0x2d: {  	s3 =	simm.s32 $0x108;
	s8 =	sld [smem:$0x3F90]  }
0x2e: {  	s3 =	simm.s32 @!p0 $0x1082;
	s9 =	sld [smem:$0x3F91]  }
0x2f: {  	lr =	sadd.s32 s0, s3;
	s0 =	sld [smem:$0x3F88]  }
0x30: {  	s3 =	sld [smem:$0x3F8B]  }
0x31: {  	[smem:$0x3F94] =	sst s10  }
0x32: {  	s10 =	sld [smem:$0x3F92];
	_ =	sdelay $0x3  }
0x33: {  	p0 =	seq.s32 s10, $0x1;
	s10 =	sld [smem:$0x3F94];
	_ =	sdelay $0x3  }
0x34: {  	[smem:$0x3F94] =	sst s10  }
0x35: {  	s10 =	sld [smem:$0x3F93];
	_ =	sdelay $0x3  }
0x36: {  	p1 =	seq.s32 s10, $0x1;
	s10 =	sld [smem:$0x3F94];
	_ =	sdelay $0x3  }
0x37: {  	[smem:$0x3F94] =	sst s10  }
0x38: {  	s10 =	sld [smem:$0x3F95]  }
0x39: {  	_ = 	snop;
	(pc) =	sbr.ind lr, $3  }
0x3a: {  	_ = 	snop  }
0x3b: {  	_ = 	snop  }
0x3c: {  	p2 =	seq.s32 s10, $0x1;
	s10 =	sld [smem:$0x3F94]  }
0x3d: {  	_ =	shalt  }
0x3e: {  	_ =	shalt  }
0x3f: {  	_ =	shalt  }
0x40: {  	_ =	shalt  }
0x41: {  	_ =	shalt  }
0x42: {  	_ =	shalt  }
0x43: {  	_ =	shalt  }
0x44: {  	_ =	shalt  }
0x45: {  	_ =	shalt  }
0x46: {  	_ =	shalt  }
0x47: {  	_ =	shalt  }
0x48: {  	_ =	shalt  }
0x49: {  	_ =	shalt  }
0x4a: {  	_ =	shalt  }
0x4b: {  	_ =	shalt  }
0x4c: {  	_ =	shalt  }
0x4d: {  	_ =	shalt  }
0x4e: {  	_ =	shalt  }
0x4f: {  	_ =	shalt  }
0x50: {  	_ =	shalt  }
0x51: {  	_ =	shalt  }
0x52: {  	_ =	shalt  }
0x53: {  	_ =	shalt  }
0x54: {  	_ =	shalt  }
0x55: {  	_ =	shalt  }
0x56: {  	_ =	shalt  }
0x57: {  	_ =	shalt  }
0x58: {  	_ =	shalt  }
0x59: {  	_ =	shalt  }
0x5a: {  	_ =	shalt  }
0x5b: {  	_ =	shalt  }
0x5c: {  	_ =	shalt  }
0x5d: {  	_ =	shalt  }
0x5e: {  	_ =	shalt  }
0x5f: {  	_ =	shalt  }
0x60: {  	_ =	shalt  }
0x61: {  	_ =	shalt  }
0x62: {  	_ =	shalt  }
0x63: {  	_ =	shalt  }
0x64: {  	_ =	shalt  }
0x65: {  	_ =	shalt  }
0x66: {  	_ =	shalt  }
0x67: {  	_ =	shalt  }
0x68: {  	_ =	shalt  }
0x69: {  	_ =	shalt  }
0x6a: {  	_ =	shalt  }
0x6b: {  	_ =	shalt  }
0x6c: {  	_ =	shalt  }
0x6d: {  	_ =	shalt  }
0x6e: {  	_ =	shalt  }
0x6f: {  	_ =	shalt  }
0x70: {  	_ =	shalt  }
0x71: {  	_ =	shalt  }
0x72: {  	_ =	shalt  }
0x73: {  	_ =	shalt  }
0x74: {  	_ =	shalt  }
0x75: {  	_ =	shalt  }
0x76: {  	_ =	shalt  }
0x77: {  	_ =	shalt  }
0x78: {  	_ =	shalt  }
0x79: {  	_ =	shalt  }
0x7a: {  	_ =	shalt  }
0x7b: {  	_ =	shalt  }
0x7c: {  	_ =	shalt  }
0x7d: {  	_ =	shalt  }
0x7e: {  	_ =	shalt  }
0x7f: {  	_ =	shalt  }
0x80: {  	_ =	shalt  }
0x81: {  	_ =	shalt  }
0x82: {  	_ =	shalt  }
0x83: {  	_ =	shalt  }
0x84: {  	_ =	shalt  }
0x85: {  	_ =	shalt  }
0x86: {  	_ =	shalt  }
0x87: {  	_ =	shalt  }
.Lfunc_end0:
.L_simem_size_0:
called_computation_lowered:
.L_overlay_start_0:
0x88: {  	s2 =	sld [smem:$0x3FD9]  }
0x89: {  	s3 =	sld [smem:$0x3FFE];
	_ =	sdelay $0x1  }
0x8a: {  	s1 =	srdreg.scid  }
0x8b: {  	s0 =	sand.u32 $0x1, s1  }
0x8c: {  	s17 =	sshll.u32 s0, $0xA;
	s2 =	sadd.s32 s3, s2  }
0x8d: {  	s2 =	sadd.s32 s2, s17  }
0x8e: {  	[smem:$0x3FA0] =	sst s2  }
0x8f: {  	_ = 	snop  }
0x90: {  	s2 =	sld [smem:$0x3FD0];
	(tm) =	ssettm $0x1  }
0x91: {  	s18 =	sld [smem:$0x3FFB];
	_ =	sdelay $0x3  }
0x92: {  	_ =	strace s18  }
0x93: {  	s3 =	sld [smem:$0x3FFC];
	_ =	sdelay $0x3  }
0x94: {  	_ =	strace s3  }
0x95: {  	s3 =	sld [smem:$0x3FFD];
	_ =	sdelay $0x3  }
0x96: {  	_ =	strace s3  }
0x97: {  	_ =	strace $0x8FFFFFFF  }
0x98: {  	s19 =	sld [smem:$0x3FDB];
	_ =	sdelay $0x1  }
0x99: {  	s4 =	simm.s32 $_scs_section_size  }
0x9a: {  	s5 =	simm.s32 $_size__tile_overlayer_lowered;
	s6 =	simm.s32 $_tile_overlayer_lowered  }
0x9b: {  	s22 =	simm.s32 $0x1BFF;
	s21 =	sshll.u32 s6, $0x1;
	s3 =	sadd.s32 s4, s19  }
0x9c: {  	s7 =	simm.s32 $0x0;
	s20 =	sshll.u32 s5, $0x1;
	s5 =	sadd.s32 s21, s3  }
0x9d: {  	[timem:s7], [sflag:s22] =	dma.local [hbm:s5], s20  }
0x9e: {  	_ =	swait.ge [sflag:s22], s20  }
0x9f: {  	s4 =	ssub.s32 $0x0, s20;
	[sflag:s22] =	ssyncset.done $0x0  }
0xa0: {  	[sflag:s22] =	ssyncadd.s32 s4;
	_ =	sdelay $0x1  }
0xa1: {  	s23 =	simm.s32 $0x1B8B  }
0xa2: {  	_ =	swait.ge [sflag:s23], $0x1  }
0xa3: {  	[sflag:s23] =	ssyncset.done $0x0  }
0xa4: {  	s25 =	simm.s32 $0x1B8E;
	s24 =	sld [smem:$0x3FFE];
	[sflag:s23] =	ssyncadd.s32 $0xFFFFFFFF  }
0xa5: {  	s26 =	simm.s32 $execute0_lowered;
	[smem:$0x3FD2] =	sst s25  }
0xa6: {  	s5 =	sshll.u32 s26, $0x1;
	_ =	strace $0x80000046;
	[dreg:$0x1] =	wrdreg $0xFFFFFFFF  }
0xa7: {  	s28 =	simm.s32 $_size_execute0_lowered;
	s3 =	sadd.s32 s3, s5;
	[dreg:$0x0] =	wrdreg $0x0  }
0xa8: {  	s5 =	sshll.u32 s28, $0x1;
	[dreg:$0x2] =	wrdreg s3  }
0xa9: {  	[dreg:$0x3] =	wrdreg s5  }
0xaa: {  	[dreg:$0x4] =	wrdreg $0xC0  }
0xab: {  	_ =	task [dreg:s7], $0x5FFFF  }
0xac: {  	[dreg:$0x1] =	wrdreg $0xFFFFFFFF  }
0xad: {  	[dreg:$0x0] =	wrdreg $0x60  }
0xae: {  	[dreg:$0x2] =	wrdreg s24  }
0xaf: {  	[dreg:$0x3] =	wrdreg s2  }
0xb0: {  	[dreg:$0x4] =	wrdreg $0x0  }
0xb1: {  	[dreg:$0x5] =	wrdreg $0x28000  }
0xb2: {  	[dreg:$0x6] =	wrdreg $0x9  }
0xb3: {  	_ =	task.clear_ibuf [dreg:s7], $0x7FFFF;
	_ =	strace $0x90000046  }
0xb4: {  	s29 =	simm.s32 $0x9;
	_ =	strace $0x80000048  }
0xb5: {  	_ =	swait.ge [sflag:s29], $0x1  }
0xb6: {  	[sflag:s29] =	ssyncadd.s32 $0xFFFFFFFF  }
0xb7: {  	_ =	strace $0x90000048  }
0xb8: {  	_ =	sfence  }
0xb9: {  	s30 =	sld [smem:$0x0];
	_ =	sdelay $0x2  }
0xba: {  	s31 =	sshll.u32 s1, $0xD;
	s1 =	sshrl.u32 s1, $0x2  }
0xbb: {  	s3 =	sand.u32 $0x4000, s31;
	s1 =	sadd.s32 s1, s30  }
0xbc: {  	s0 =	sor.u32 s3, s0;
	s1 =	sshll.u32 s1, $0x11  }
0xbd: {  	s0 =	sor.u32 s1, s0  }
0xbe: {  	s0 =	sadd.s32 $0x8F2B, s0  }
0xbf: {  	[sflag:s0] =	ssyncadd.remote.s32 $0x1  }
0xc0: {  	_ =	sfence.sel $0xFFFF  }
0xc1: {  	[dreg:$0x0] =	wrdreg $0xFFFFFFFF;
	(pc) =	sbr.abs _section_cstart, $3  }
0xc2: {  	[dreg:$0x1] =	wrdreg $0xFFFFFFFF  }
0xc3: {  	_ =	task.clear_ibuf [dreg:s7], $0x2FFFF;
	_ =	strace $0x9FFFFFFF  }
0xc4: {  	(tm) =	ssettm $0x7FFFFFFF  }
0xc5: {  	_ =	shalt  }
tec
execute0_lowered:
.L_overlay_start_1:
0x0: {  	(tag) =	ssettag $0x1  }
0x1: {  	s6 =	rddreg [dreg:$0x0]  }
0x2: {  	s11 =	rddreg [dreg:$0x1]  }
0x3: {  	s1 =	rddreg [dreg:$0x2]  }
0x4: {  	s3 =	rddreg [dreg:$0x3]  }
0x5: {  	s0 =	rddreg [dreg:$0x4];
	s5 =	srdreg.scid  }
0x6: {  	s4 =	simm.s32 $0x0;
	s2 =	stileid.u32;
	s17 =	simm.s32 $0xD280  }
0x7: {  	s18 =	simm.s32 $0x2A80;
	s19 =	simm.s32 $0x15280;
	s20 =	simm.s32 $0xAB00  }
0x8: {  	s21 =	simm.s32 $0x50;
	s22 =	simm.s32 $0x1;
	s9 =	smul.u32 $0x2800, s2  }
0x9: {  	s7 =	sand.u32 $0x1, s5;
	s8 =	sshll.u32 s2, $0xB;
	s13 =	smul.u32 $0x280, s2  }
0xa: {  	[smem:$0x7FF] =	sst s4;
	s5 =	sshll.u32 s7, $0xF;
	s30 =	smul.u32 $0x28000, s7  }
0xb: {  	_ =	strace $0x80000047;
	s12 =	ssub.s32 $0x2, s7;
	s15 =	smul.u32 $0x2800, s7  }
0xc: {  	s5 =	sor.u32 s8, s5;
	s14 =	sshrl.u32 s12, $0x1;
	s7 =	sadd.s32 s13, s3  }
0xd: {  	s10 =	sadd.s32 s5, s6;
	s5 =	sadd.s32 $0x24A00, s6;
	s8 =	sadd.s32 s9, s30  }
0xe: {  	s14 =	ssub.s32 s12, s14;
	s31 =	sadd.s32 s13, s15;
	s15 =	simm.s32 $0x2  }
0xf: {  	s8 =	sshrl.u32 s8, $0x3;
	s12 =	sshrl.u32 s31, $0x3;
	s13 =	smax.u32 s14, $0x1  }
0x10: {  	s14 =	simm.s32 $0x19280;
	s16 =	sadd.s32 s8, s6;
	s6 =	sadd.s32 s9, s1  }
0x11: {  	s8 =	sadd.s32 $0x4A00, s10;
	s9 =	sadd.s32 $0x14A00, s10;
	s10 =	sadd.s32 $0x24C00, s10  }
0x12: {  	v0 =	vimm.f32 $0.0e+00;
	v1 =	vimm.s32 $0x0;
	v2 =	vimm.s32 $0x11;
	s11 =	sadd.s32 s11, s12;
	s12 =	sadd.s32 $0x34C00, s16;
	s16 =	simm.s32 $0xAA80  }
.LBB2_1:
0x13: {  	s24 =	simm.s32 $0x140;
	s23 =	simm.s32 $0x0  }
.LBB2_2:
0x14: {  	p0 =	sne.s32 s24, $0x9EC0;
	[tilespmem:s23+$0x192C0] =	vst v0;
	s25 =	smov.u32 s24;
	s24 =	sadd.s32 $0x140, s24  }
.Ltmp0:
0x15: {  	[tilespmem:s23+$0x192B0] =	vst v0;
	(pc) =	sbr.rel @p0 .LBB2_2-.Ltmp0, $4  }
0x16: {  	[tilespmem:s23+$0x192A0] =	vst v0  }
0x17: {  	[tilespmem:s23+$0x19280] =	vst v0  }
0x18: {  	[tilespmem:s23+$0x19290] =	vst v0  }
0x19: {  	s23 =	sshra.s32 s25, $0x2  }
0x1a: {  	[tilespmem:s23+$0x192C0] =	vst v0  }
0x1b: {  	[tilespmem:s23+$0x192B0] =	vst v0  }
0x1c: {  	[tilespmem:s23+$0x192A0] =	vst v0  }
0x1d: {  	[tilespmem:s23+$0x19280] =	vst v0  }
0x1e: {  	[tilespmem:s23+$0x19290] =	vst v0  }
0x1f: {  	[spmem:s6] =	stream.linear.scatter [tilespmem:s14], [sflag:$0x2], $0x2800, $0x38;
	[tilespmem:$0x1BA80] =	vst v63  }
0x20: {  	_ =	swait.ge [sflag:s15], $0x2800  }
0x21: {  	[sflag:s15] =	ssyncset.done $0x0  }
0x22: {  	[sflag:s15] =	ssyncadd.s32 $0xFFFFD800  }
0x23: {  	[spmem:s7] =	stream.linear.scatter [tilespmem:s14], [sflag:$0x2], $0x280, $0x38;
	[tilespmem:$0x1BA80] =	vst v63  }
0x24: {  	_ =	swait.ge [sflag:s15], $0x280  }
0x25: {  	[sflag:s15] =	ssyncset.done $0x0  }
0x26: {  	s31 =	simm.s32 $0x0;
	[sflag:s15] =	ssyncadd.s32 $0xFFFFFD80  }
0x27: {  	[tilespmem:s16], [sflag:$0x2] =	stream.linear.gather [hbm4b:s5+s31], $0x80, $0x38;
	[tilespmem:$0x1BA80] =	vst v63  }
0x28: {  	_ =	swait.ge [sflag:s15], $0x80  }
0x29: {  	[sflag:s15] =	ssyncset.done $0x0  }
0x2a: {  	[sflag:s15] =	ssyncadd.s32 $0xFFFFFF80  }
0x2b: {  	[tilespmem:s17], [sflag:$0x2] =	stream.linear.gather [hbm4b:s8+s31], $0x3E80, $0x38;
	[tilespmem:$0x1BA80] =	vst v63  }
0x2c: {  	_ =	swait.ge [sflag:s15], $0x3E80  }
0x2d: {  	[sflag:s15] =	ssyncset.done $0x0  }
0x2e: {  	[sflag:s15] =	ssyncadd.s32 $0xFFFFC180  }
0x2f: {  	[tilespmem:s18], [sflag:$0x2] =	stream.linear.gather [hbm4b:s9+s31], $0x3E80, $0x38;
	[tilespmem:$0x1BA80] =	vst v63  }
0x30: {  	_ =	swait.ge [sflag:s15], $0x3E80  }
0x31: {  	[sflag:s15] =	ssyncset.done $0x0  }
0x32: {  	[sflag:s15] =	ssyncadd.s32 $0xFFFFC180  }
0x33: {  	[tilespmem:s19], [sflag:$0x2] =	stream.linear.gather [hbm4b:s10+s31], $0x3E80, $0x38;
	[tilespmem:$0x1BA80] =	vst v63  }
0x34: {  	_ =	swait.ge [sflag:s15], $0x3E80  }
0x35: {  	[sflag:s15] =	ssyncset.done $0x0  }
0x36: {  	s24 =	simm.s32 $0x140;
	s23 =	simm.s32 $0x0;
	[sflag:s15] =	ssyncadd.s32 $0xFFFFC180  }
.LBB2_4:
0x37: {  	p0 =	sne.s32 s24, $0x9B00;
	[tilespmem:s23+$0xAB40] =	vst v1;
	s25 =	smov.u32 s24;
	s24 =	sadd.s32 $0x140, s24  }
.Ltmp1:
0x38: {  	[tilespmem:s23+$0xAB30] =	vst v1;
	(pc) =	sbr.rel @p0 .LBB2_4-.Ltmp1, $4  }
0x39: {  	[tilespmem:s23+$0xAB20] =	vst v1  }
0x3a: {  	[tilespmem:s23+$0xAB00] =	vst v1  }
0x3b: {  	[tilespmem:s23+$0xAB10] =	vst v1  }
0x3c: {  	s23 =	sshra.s32 s25, $0x2  }
0x3d: {  	[tilespmem:s23+$0xAB40] =	vst v1  }
0x3e: {  	[tilespmem:s23+$0xAB30] =	vst v1  }
0x3f: {  	[tilespmem:s23+$0xAB20] =	vst v1  }
0x40: {  	[tilespmem:s23+$0xAB00] =	vst v1  }
0x41: {  	[tilespmem:s23+$0xAB10] =	vst v1  }
0x42: {  	v3 =	vld [tilespmem:$0xAA80];
	_ =	sdelay $0x4  }
0x43: {  	v4 =	vbroadcast v3, $0xF  }
0x44: {  	v5 =	vbroadcast v3, $0xE  }
0x45: {  	v6 =	vbroadcast v3, $0xD;
	vm0 =	veq.s32 v3, v4  }
0x46: {  	v21 =	vbroadcast v3, $0xC;
	vm1 =	veq.s32 v3, v5;
	v22 =	vsel vm0, $0x10, v2  }
0x47: {  	v7 =	vbroadcast v3, $0xB;
	vm4 =	veq.s32 v3, v6;
	v5 =	vsel vm1, $0xF, v22  }
0x48: {  	v23 =	vbroadcast v3, $0xA;
	vm5 =	veq.s32 v3, v21;
	v24 =	vsel vm4, $0xE, v5  }
0x49: {  	v25 =	vbroadcast v3, $0x9;
	vm6 =	veq.s32 v3, v7;
	v4 =	vsel vm5, $0xD, v24  }
0x4a: {  	v26 =	vbroadcast v3, $0x8;
	vm7 =	veq.s32 v3, v23;
	v4 =	vsel vm6, $0xC, v4  }
0x4b: {  	v27 =	vbroadcast v3, $0x7;
	vm8 =	veq.s32 v3, v25;
	v4 =	vsel vm7, $0xB, v4  }
0x4c: {  	v28 =	vbroadcast v3, $0x6;
	vm9 =	veq.s32 v3, v26;
	v4 =	vsel vm8, $0xA, v4  }
0x4d: {  	v29 =	vbroadcast v3, $0x5;
	vm10 =	veq.s32 v3, v27;
	v4 =	vsel vm9, $0x9, v4  }
0x4e: {  	v30 =	vbroadcast v3, $0x4;
	vm11 =	veq.s32 v3, v28;
	v4 =	vsel vm10, $0x8, v4  }
0x4f: {  	v31 =	vbroadcast v3, $0x3;
	vm12 =	veq.s32 v3, v29;
	v4 =	vsel vm11, $0x7, v4  }
0x50: {  	v32 =	vbroadcast v3, $0x2;
	vm13 =	veq.s32 v3, v30;
	v4 =	vsel vm12, $0x6, v4  }
0x51: {  	v33 =	vbroadcast v3, $0x1;
	vm14 =	veq.s32 v3, v31;
	v4 =	vsel vm13, $0x5, v4  }
0x52: {  	v34 =	vbroadcast v3, $0x0;
	vm15 =	veq.s32 v3, v32;
	v4 =	vsel vm14, $0x4, v4  }
0x53: {  	vm4 =	veq.s32 v3, v33;
	v4 =	vsel vm15, $0x3, v4  }
0x54: {  	vm5 =	veq.s32 v3, v34;
	v4 =	vsel vm4, $0x2, v4  }
0x55: {  	v4 =	vsel vm5, $0x1, v4  }
0x56: {  	[tilespmem:v3+s20+$0x0] =	vst.idx.msk $0xffff, v4  }
0x57: {  	s31 =	simm.s32 $0x0;
	[bflag:$0x0] =	sbarrier.arrive $0xFFFF  }
0x58: {  	v3 =	vld [tilespmem:s31+$0x2A80];
	_ =	sdelay $0x6  }
0x59: {  	v35 =	vld [tilespmem:s31+$0x2A90]  }
0x5a: {  	v3 =	vld.idx.msk [tilespmem:v3+s20+$0x0], $0xffff  }
0x5b: {  	v36 =	vld [tilespmem:s31+$0x15280]  }
0x5c: {  	v37 =	vld [tilespmem:s31+$0xD280];
	_ =	sdelay $0x2  }
0x5d: {  	v38 =	vadd.s32 $0xFFFFFFFF, v3  }
0x5e: {  	vm6 =	vgt.s32 v3, $0x0;
	vm7 =	vgt.s32 v38, $0x0  }
0x5f: {  	v39 =	vshll.u32 v37, $0x4;
	v3 =	vnsel vm6, $0x0, v36;
	v40 =	vnsel vm7, $0x0, v38  }
0x60: {  	[tilespmem:s31+$0x11280] =	vst v3;
	v5 =	vadd.s32 v39, v40  }
0x61: {  	v41 =	vld [tilespmem:s31+$0x2AA0];
	[tilespmem:s31+$0x6A80] =	vst v5  }
0x62: {  	v3 =	vld.idx.msk [tilespmem:v35+s20+$0x0], $0xffff  }
0x63: {  	v42 =	vld [tilespmem:s31+$0x15290]  }
0x64: {  	v43 =	vld [tilespmem:s31+$0xD290];
	_ =	sdelay $0x2  }
0x65: {  	v44 =	vadd.s32 $0xFFFFFFFF, v3  }
0x66: {  	vm8 =	vgt.s32 v3, $0x0;
	vm9 =	vgt.s32 v44, $0x0  }
0x67: {  	v45 =	vshll.u32 v43, $0x4;
	v3 =	vnsel vm8, $0x0, v42;
	v46 =	vnsel vm9, $0x0, v44  }
0x68: {  	[tilespmem:s31+$0x11290] =	vst v3;
	v5 =	vadd.s32 v45, v46  }
0x69: {  	v47 =	vld [tilespmem:s31+$0x2AB0];
	[tilespmem:s31+$0x6A90] =	vst v5  }
0x6a: {  	v3 =	vld.idx.msk [tilespmem:v41+s20+$0x0], $0xffff  }
0x6b: {  	v48 =	vld [tilespmem:s31+$0x152A0]  }
0x6c: {  	v49 =	vld [tilespmem:s31+$0xD2A0];
	_ =	sdelay $0x2  }
0x6d: {  	v50 =	vadd.s32 $0xFFFFFFFF, v3  }
0x6e: {  	vm10 =	vgt.s32 v3, $0x0;
	vm11 =	vgt.s32 v50, $0x0  }
0x6f: {  	v51 =	vshll.u32 v49, $0x4;
	v3 =	vnsel vm10, $0x0, v48;
	v52 =	vnsel vm11, $0x0, v50  }
0x70: {  	[tilespmem:s31+$0x112A0] =	vst v3;
	v5 =	vadd.s32 v51, v52  }
0x71: {  	v53 =	vld [tilespmem:s31+$0x2AC0];
	[tilespmem:s31+$0x6AA0] =	vst v5  }
0x72: {  	v3 =	vld.idx.msk [tilespmem:v47+s20+$0x0], $0xffff  }
0x73: {  	v54 =	vld [tilespmem:s31+$0x152B0]  }
0x74: {  	v55 =	vld [tilespmem:s31+$0xD2B0];
	_ =	sdelay $0x2  }
0x75: {  	v56 =	vadd.s32 $0xFFFFFFFF, v3  }
0x76: {  	vm12 =	vgt.s32 v3, $0x0;
	vm13 =	vgt.s32 v56, $0x0  }
0x77: {  	v57 =	vshll.u32 v55, $0x4;
	v3 =	vnsel vm12, $0x0, v54;
	v58 =	vnsel vm13, $0x0, v56  }
0x78: {  	[tilespmem:s31+$0x112B0] =	vst v3;
	v3 =	vadd.s32 v57, v58  }
0x79: {  	[tilespmem:s31+$0x6AB0] =	vst v3  }
0x7a: {  	v3 =	vld.idx.msk [tilespmem:v53+s20+$0x0], $0xffff  }
0x7b: {  	v59 =	vld [tilespmem:s31+$0x152C0]  }
0x7c: {  	v60 =	vld [tilespmem:s31+$0xD2C0];
	_ =	sdelay $0x2  }
0x7d: {  	v61 =	vadd.s32 $0xFFFFFFFF, v3  }
0x7e: {  	vm14 =	vgt.s32 v3, $0x0;
	vm15 =	vgt.s32 v61, $0x0  }
0x7f: {  	v62 =	vshll.u32 v60, $0x4;
	v3 =	vnsel vm14, $0x0, v59;
	v63 =	vnsel vm15, $0x0, v61  }
0x80: {  	[tilespmem:s31+$0x112C0] =	vst v3;
	v3 =	vadd.s32 v62, v63  }
0x81: {  	s24 =	simm.s32 $0x2A80;
	s25 =	simm.s32 $0x15280;
	s23 =	simm.s32 $0x80;
	[tilespmem:s31+$0x6AC0] =	vst v3  }
0x82: {  	[spmem:s3] =	stream.indirect.scatter.add.f32 [tilespmem:s25], [sflag:$0x1], $0x1, s24, s21, $0xb8;
	[tilespmem:$0x1BA80] =	vst v63  }
0x83: {  	s26 =	simm.s32 $0x6A80;
	s28 =	simm.s32 $0x11280;
	s24 =	simm.s32 $0x400  }
.LBB2_6:
0x84: {  	[spmem:s1] =	stream.indirect.scatter.add.f32 [tilespmem:s28], [sflag:$0x1], $0x1, s26, s21, $0xb8;
	[tilespmem:$0x1BA80] =	vst v63  }
0x85: {  	s25 =	sshra.s32 s24, $0x2;
	p0 =	sne.s32 s24, $0xF800;
	s24 =	sadd.s32 $0x200, s24;
	v3 =	vld [tilespmem:s23+$0x2A80]  }
0x86: {  	_ =	sdelay $0x6  }
0x87: {  	v3 =	vld.idx.msk [tilespmem:v3+s20+$0x0], $0xffff  }
0x88: {  	v4 =	vld [tilespmem:s23+$0x2A90]  }
0x89: {  	v5 =	vld [tilespmem:s23+$0x15280]  }
0x8a: {  	v6 =	vld [tilespmem:s23+$0xD280];
	_ =	sdelay $0x2  }
0x8b: {  	v7 =	vadd.s32 $0xFFFFFFFF, v3;
	vm0 =	vgt.s32 v3, $0x0  }
0x8c: {  	vm1 =	vgt.s32 v7, $0x0;
	v3 =	vnsel vm0, $0x0, v5  }
0x8d: {  	v5 =	vshll.u32 v6, $0x4;
	v6 =	vnsel vm1, $0x0, v7  }
0x8e: {  	v5 =	vadd.s32 v5, v6;
	[tilespmem:s23+$0x11280] =	vst v3  }
0x8f: {  	[tilespmem:s23+$0x6A80] =	vst v5  }
0x90: {  	v3 =	vld.idx.msk [tilespmem:v4+s20+$0x0], $0xffff  }
0x91: {  	v4 =	vld [tilespmem:s23+$0x2AA0]  }
0x92: {  	v5 =	vld [tilespmem:s23+$0x15290]  }
0x93: {  	v6 =	vld [tilespmem:s23+$0xD290];
	_ =	sdelay $0x2  }
0x94: {  	v7 =	vadd.s32 $0xFFFFFFFF, v3;
	vm0 =	vgt.s32 v3, $0x0  }
0x95: {  	vm1 =	vgt.s32 v7, $0x0;
	v3 =	vnsel vm0, $0x0, v5  }
0x96: {  	v5 =	vshll.u32 v6, $0x4;
	v6 =	vnsel vm1, $0x0, v7  }
0x97: {  	v5 =	vadd.s32 v5, v6;
	[tilespmem:s23+$0x11290] =	vst v3  }
0x98: {  	[tilespmem:s23+$0x6A90] =	vst v5  }
0x99: {  	v3 =	vld.idx.msk [tilespmem:v4+s20+$0x0], $0xffff  }
0x9a: {  	v4 =	vld [tilespmem:s23+$0x2AB0]  }
0x9b: {  	v5 =	vld [tilespmem:s23+$0x152A0]  }
0x9c: {  	v6 =	vld [tilespmem:s23+$0xD2A0];
	_ =	sdelay $0x2  }
0x9d: {  	v7 =	vadd.s32 $0xFFFFFFFF, v3;
	vm0 =	vgt.s32 v3, $0x0  }
0x9e: {  	vm1 =	vgt.s32 v7, $0x0;
	v3 =	vnsel vm0, $0x0, v5  }
0x9f: {  	v5 =	vshll.u32 v6, $0x4;
	v6 =	vnsel vm1, $0x0, v7  }
0xa0: {  	v5 =	vadd.s32 v5, v6;
	[tilespmem:s23+$0x112A0] =	vst v3  }
0xa1: {  	[tilespmem:s23+$0x6AA0] =	vst v5  }
0xa2: {  	v3 =	vld.idx.msk [tilespmem:v4+s20+$0x0], $0xffff  }
0xa3: {  	v4 =	vld [tilespmem:s23+$0x2AC0]  }
0xa4: {  	v5 =	vld [tilespmem:s23+$0x152B0]  }
0xa5: {  	v6 =	vld [tilespmem:s23+$0xD2B0];
	_ =	sdelay $0x2  }
0xa6: {  	v7 =	vadd.s32 $0xFFFFFFFF, v3;
	vm0 =	vgt.s32 v3, $0x0  }
0xa7: {  	vm1 =	vgt.s32 v7, $0x0;
	v3 =	vnsel vm0, $0x0, v5  }
0xa8: {  	v5 =	vshll.u32 v6, $0x4;
	v6 =	vnsel vm1, $0x0, v7;
	[tilespmem:s23+$0x112B0] =	vst v3  }
0xa9: {  	v3 =	vadd.s32 v5, v6  }
0xaa: {  	[tilespmem:s23+$0x6AB0] =	vst v3  }
0xab: {  	v3 =	vld.idx.msk [tilespmem:v4+s20+$0x0], $0xffff;
	_ =	sdelay $0x1  }
0xac: {  	v4 =	vld [tilespmem:s23+$0x152C0]  }
0xad: {  	v5 =	vld [tilespmem:s23+$0xD2C0];
	_ =	sdelay $0x2  }
0xae: {  	v6 =	vadd.s32 $0xFFFFFFFF, v3;
	vm0 =	vgt.s32 v3, $0x0  }
0xaf: {  	vm1 =	vgt.s32 v6, $0x0;
	v3 =	vnsel vm0, $0x0, v4  }
.Ltmp2:
0xb0: {  	v4 =	vshll.u32 v5, $0x4;
	v5 =	vnsel vm1, $0x0, v6;
	[tilespmem:s23+$0x112C0] =	vst v3;
	(pc) =	sbr.rel @p0 .LBB2_6-.Ltmp2, $4  }
0xb1: {  	v3 =	vadd.s32 v4, v5  }
0xb2: {  	s26 =	sadd.s32 $0x2A80, s23;
	s28 =	sadd.s32 $0x15280, s23;
	[tilespmem:s23+$0x6AC0] =	vst v3  }
0xb3: {  	[spmem:s3] =	stream.indirect.scatter.add.f32 [tilespmem:s28], [sflag:$0x1], $0x1, s26, s21, $0xb8;
	[tilespmem:$0x1BA80] =	vst v63  }
0xb4: {  	s26 =	sadd.s32 $0x6A80, s23;
	s28 =	sadd.s32 $0x11280, s23;
	s23 =	smov.u32 s25  }
0xb5: {  	[spmem:s1] =	stream.indirect.scatter.add.f32 [tilespmem:s28], [sflag:$0x1], $0x1, s26, s21, $0xb8;
	[tilespmem:$0x1BA80] =	vst v63  }
0xb6: {  	v3 =	vld [tilespmem:s23+$0x2A80];
	_ =	sdelay $0x6  }
0xb7: {  	v4 =	vld [tilespmem:s23+$0x2A90]  }
0xb8: {  	v3 =	vld.idx.msk [tilespmem:v3+s20+$0x0], $0xffff  }
0xb9: {  	v5 =	vld [tilespmem:s23+$0x15280]  }
0xba: {  	v6 =	vld [tilespmem:s23+$0xD280];
	_ =	sdelay $0x2  }
0xbb: {  	v7 =	vadd.s32 $0xFFFFFFFF, v3  }
0xbc: {  	vm0 =	vgt.s32 v3, $0x0;
	vm1 =	vgt.s32 v7, $0x0  }
0xbd: {  	v39 =	vshll.u32 v6, $0x4;
	v3 =	vnsel vm0, $0x0, v5;
	v40 =	vnsel vm1, $0x0, v7  }
0xbe: {  	[tilespmem:s23+$0x11280] =	vst v3;
	v5 =	vadd.s32 v39, v40  }
0xbf: {  	v41 =	vld [tilespmem:s23+$0x2AA0];
	[tilespmem:s23+$0x6A80] =	vst v5  }
0xc0: {  	v3 =	vld.idx.msk [tilespmem:v4+s20+$0x0], $0xffff  }
0xc1: {  	v42 =	vld [tilespmem:s23+$0x15290]  }
0xc2: {  	v43 =	vld [tilespmem:s23+$0xD290];
	_ =	sdelay $0x2  }
0xc3: {  	v44 =	vadd.s32 $0xFFFFFFFF, v3  }
0xc4: {  	vm8 =	vgt.s32 v3, $0x0;
	vm9 =	vgt.s32 v44, $0x0  }
0xc5: {  	v45 =	vshll.u32 v43, $0x4;
	v3 =	vnsel vm8, $0x0, v42;
	v46 =	vnsel vm9, $0x0, v44  }
0xc6: {  	[tilespmem:s23+$0x11290] =	vst v3;
	v5 =	vadd.s32 v45, v46  }
0xc7: {  	v47 =	vld [tilespmem:s23+$0x2AB0];
	[tilespmem:s23+$0x6A90] =	vst v5  }
0xc8: {  	v3 =	vld.idx.msk [tilespmem:v41+s20+$0x0], $0xffff  }
0xc9: {  	v48 =	vld [tilespmem:s23+$0x152A0]  }
0xca: {  	v49 =	vld [tilespmem:s23+$0xD2A0];
	_ =	sdelay $0x2  }
0xcb: {  	v50 =	vadd.s32 $0xFFFFFFFF, v3  }
0xcc: {  	vm10 =	vgt.s32 v3, $0x0;
	vm11 =	vgt.s32 v50, $0x0  }
0xcd: {  	v51 =	vshll.u32 v49, $0x4;
	v3 =	vnsel vm10, $0x0, v48;
	v52 =	vnsel vm11, $0x0, v50  }
0xce: {  	[tilespmem:s23+$0x112A0] =	vst v3;
	v5 =	vadd.s32 v51, v52  }
0xcf: {  	v53 =	vld [tilespmem:s23+$0x2AC0];
	[tilespmem:s23+$0x6AA0] =	vst v5  }
0xd0: {  	v3 =	vld.idx.msk [tilespmem:v47+s20+$0x0], $0xffff  }
0xd1: {  	v54 =	vld [tilespmem:s23+$0x152B0]  }
0xd2: {  	v55 =	vld [tilespmem:s23+$0xD2B0];
	_ =	sdelay $0x2  }
0xd3: {  	v56 =	vadd.s32 $0xFFFFFFFF, v3  }
0xd4: {  	vm12 =	vgt.s32 v3, $0x0;
	vm13 =	vgt.s32 v56, $0x0  }
0xd5: {  	v57 =	vshll.u32 v55, $0x4;
	v3 =	vnsel vm12, $0x0, v54;
	v58 =	vnsel vm13, $0x0, v56  }
0xd6: {  	[tilespmem:s23+$0x112B0] =	vst v3;
	v3 =	vadd.s32 v57, v58  }
0xd7: {  	[tilespmem:s23+$0x6AB0] =	vst v3  }
0xd8: {  	v3 =	vld.idx.msk [tilespmem:v53+s20+$0x0], $0xffff  }
0xd9: {  	v59 =	vld [tilespmem:s23+$0x152C0]  }
0xda: {  	v60 =	vld [tilespmem:s23+$0xD2C0];
	_ =	sdelay $0x2  }
0xdb: {  	v61 =	vadd.s32 $0xFFFFFFFF, v3  }
0xdc: {  	vm14 =	vgt.s32 v3, $0x0;
	vm15 =	vgt.s32 v61, $0x0  }
0xdd: {  	v62 =	vshll.u32 v60, $0x4;
	v3 =	vnsel vm14, $0x0, v59;
	v63 =	vnsel vm15, $0x0, v61  }
0xde: {  	[tilespmem:s23+$0x112C0] =	vst v3;
	v3 =	vadd.s32 v62, v63  }
0xdf: {  	s24 =	sadd.s32 $0x2A80, s23;
	s25 =	sadd.s32 $0x15280, s23;
	[tilespmem:s23+$0x6AC0] =	vst v3  }
0xe0: {  	[spmem:s3] =	stream.indirect.scatter.add.f32 [tilespmem:s25], [sflag:$0x1], $0x1, s24, s21, $0xb8;
	[tilespmem:$0x1BA80] =	vst v63  }
0xe1: {  	s30 =	sadd.s32 $0x6A80, s23;
	s31 =	sadd.s32 $0x11280, s23  }
0xe2: {  	[spmem:s1] =	stream.indirect.scatter.add.f32 [tilespmem:s31], [sflag:$0x1], $0x1, s30, s21, $0xb8;
	[tilespmem:$0x1BA80] =	vst v63  }
0xe3: {  	_ =	swait.ge [sflag:s22], $0x50  }
0xe4: {  	[sflag:s22] =	ssyncset.done $0x0  }
0xe5: {  	[sflag:s22] =	ssyncadd.s32 $0xFFFFFFB0  }
0xe6: {  	_ =	swait.ge [sflag:s22], $0x50  }
0xe7: {  	s23 =	simm.s32 $0x7C;
	[sflag:s22] =	ssyncset.done $0x0  }
.LBB2_8:
0xe8: {  	p0 =	sne.s32 s23, $0x1;
	s23 =	sadd.s32 $0xFFFFFFFF, s23;
	[sflag:s22] =	ssyncadd.s32 $0xFFFFFFB0  }
.Ltmp3:
0xe9: {  	_ =	swait.ge [sflag:s22], $0x50;
	(pc) =	sbr.rel @p0 .LBB2_8-.Ltmp3, $4  }
0xea: {  	[sflag:s22] =	ssyncset.done $0x0  }
0xeb: {  	[sflag:s22] =	ssyncadd.s32 $0xFFFFFFB0  }
0xec: {  	_ =	swait.ge [sflag:s22], $0x50  }
0xed: {  	[sflag:s22] =	ssyncset.done $0x0  }
0xee: {  	[sflag:s22] =	ssyncadd.s32 $0xFFFFFFB0;
	s23 =	sshll.u32 s2, $0x6  }
0xef: {  	s24 =	sshrl.u32 s7, $0x3;
	[bflag:$0x0] =	sbarrier.arrive $0xFFFF;
	s23 =	sor.u32 $0x1C02, s23  }
0xf0: {  	[hbm:s11], [sflag:s23] =	dma.local [spmem:s24], $0x50  }
0xf1: {  	s4 =	sadd.s32 $0x1, s4;
	_ =	swait.ge [sflag:s15], $0x50  }
0xf2: {  	p0 =	sne.s32 s4, s13;
	[sflag:s15] =	ssyncset.done $0x0  }
.Ltmp4:
0xf3: {  	s31 =	sshrl.u32 s6, $0x3;
	[sflag:s15] =	ssyncadd.s32 $0xFFFFFFB0;
	(pc) =	sbr.rel @p0 .LBB2_1-.Ltmp4, $4  }
0xf4: {  	[hbm:s12], [sflag:s23] =	dma.local [spmem:s31], $0x500  }
0xf5: {  	_ =	swait.ge [sflag:s15], $0x500  }
0xf6: {  	[sflag:s15] =	ssyncset.done $0x0  }
0xf7: {  	[sflag:s15] =	ssyncadd.s32 $0xFFFFFB00  }
0xf8: {  	_ =	sfence.sel $0x180000  }
0xf9: {  	[bflag:$0x0] =	sbarrier.arrive $0xFFFF  }
0xfa: {  	p0 =	sne.s32 s2, $0x0;
	_ =	strace $0x90000047  }
0xfb: {  	s0 =	sadd.s32 @!p0 $0x100000, s0;
	[bflag:$0x2] =	sbarrier.arrive $0xFFFF  }
0xfc: {  	[sflag:s0] =	ssyncadd.tile.s32 @!p0 $0x1;
	_ =	shalt  }
.Lfunc_end2:
_tile_overlayer_lowered:
.L_overlay_start_2:
0xfd: {  	(tag) =	ssettag $0x2  }
0xfe: {  	s0 =	rddreg [dreg:$0x0];
	s2 =	stileid.u32  }
0xff: {  	s1 =	rddreg [dreg:$0x1];
	p0 =	sne.s32 s2, $0x0  }
0x100: {  	s3 =	rddreg [dreg:$0x2];
	[bflag:$0x3] =	sbarrier.arrive $0xFFFF;
	s2 =	simm.s32 @!p0 $0x1C02  }
0x101: {  	[timem:s3], [sflag:s2] =	dma.local @!p0 [hbm:s0], s1  }
0x102: {  	s0 =	simm.s32 @!p0 $0x2  }
0x103: {  	_ =	swait.ge @!p0 [sflag:s0], s1  }
0x104: {  	s1 =	ssub.s32 @!p0 $0x0, s1;
	[sflag:s0] =	ssyncset.done @!p0 $0x0  }
0x105: {  	[sflag:s0] =	ssyncadd.s32 @!p0 s1  }
0x106: {  	[bflag:$0x3] =	sbarrier.arrive $0xFFFF  }
0x107: {  	_ =	shalt  }

</sc_bundles>
